<compile_context>
chip_gen: v7x
topology: tpu7x:2x2x1
jax: 0.10.2.dev20260603
libtpu: 0.0.44.dev20260713+nightly
codegen_flags: <defaults>
</compile_context>

<pallas_src>
import dataclasses
import functools

import jax
import jax.numpy as jnp
from jax import lax
from jax.experimental import pallas as pl
from jax.experimental.pallas import tpu as pltpu
from jax.experimental.pallas import tpu_sc as plsc

N, E, DIN, H, F = 10000, 320000, 128, 8, 16
HF = H * F

NC, NS = 2, 16
NW = NC * NS
NPAD = 10112
ACCW = NPAD * H
EPT = 10240
EPAD = EPT * NW
CHA = 64
NCHA = EPT // CHA
EPG = EPAD // 2
CHB = 128
NCHB = EPG // CHB
BLK = NPAD // 16


def _proj_scores_body(x_ref, wp_ref, sst_ref, proj_ref, sab_ref):
    p = jnp.dot(x_ref[...], wp_ref[...], preferred_element_type=jnp.float32)
    proj_ref[...] = p
    sab_ref[...] = jnp.dot(p, sst_ref[...], preferred_element_type=jnp.float32)


def _epilogue_body(num_ref, den_ref, x_ref, wsk_ref, bias_ref, r_ref, p_ref,
                   out_ref):
    num = jnp.zeros_like(out_ref)
    for hh in range(16):
        t = num_ref[0, hh] + num_ref[1, hh]
        num = num + jnp.dot(t, p_ref[hh], preferred_element_type=jnp.float32)
    den8 = den_ref[0]
    for w in range(1, NW):
        den8 = den8 + den_ref[w]
    denx = jnp.dot(den8, r_ref[...], preferred_element_type=jnp.float32)
    skip = jnp.dot(x_ref[...], wsk_ref[...], preferred_element_type=jnp.float32)
    out = num / (denx + 1e-16) + skip + bias_ref[...]
    out_ref[...] = jnp.where(out > 0, out, jnp.exp(jnp.minimum(out, 0.0)) - 1.0)


def _sc_scores_kernel(src_hbm, trg_hbm, sab_hbm, den_hbm, w_hbm,
                      srci, trgi, va, vb, wbuf, dacc, dsem):
    cid = lax.axis_index("c")
    sid = lax.axis_index("s")
    wid = cid * NS + sid
    i32 = jnp.int32
    lanes = lax.iota(i32, 16)
    perm_b = (lanes & 7) + 8
    mask8 = lanes < 8
    zl = jnp.zeros((16,), i32)

    @pl.loop(0, ACCW // 16)
    def _zero(i):
        dacc[pl.ds(i * 16, 16)] = jnp.zeros((16,), jnp.float32)

    @pl.loop(0, NCHA)
    def _chunk(i):
        base = wid * EPT + i * CHA
        c1 = pltpu.async_copy(src_hbm.at[pl.ds(base, CHA)], srci.at[0], dsem)
        c2 = pltpu.async_copy(trg_hbm.at[pl.ds(base, CHA)], trgi.at[0], dsem)
        c1.wait()
        c2.wait()
        c3 = pltpu.async_copy(sab_hbm.at[srci.at[0]], va, dsem)
        c4 = pltpu.async_copy(sab_hbm.at[trgi.at[0]], vb, dsem)
        c3.wait()
        c4.wait()

        @pl.loop(0, CHA, step=2)
        def _edge(c):
            for u in range(2):
                cc = jnp.full((16,), c + u, i32)
                brot = plsc.load_gather(vb, [cc, perm_b])
                s = va[c + u, pl.ds(0, 16)] + brot
                s = jnp.maximum(s, 0.2 * s)
                w = jnp.exp(s)
                wbuf[c + u, :] = w
                trgv = plsc.load_gather(trgi, [zl, cc])
                plsc.addupdate_scatter(dacc, [trgv * 8 + lanes], w, mask=mask8)

        pltpu.sync_copy(wbuf, w_hbm.at[pl.ds(base, CHA), :])

    pltpu.sync_copy(dacc, den_hbm.at[wid])


def _sc_num_kernel(src_hbm, trg_hbm, w_hbm, proj_hbm, num_hbm,
                   srci, trgi, wbuf, rows, acc, dsem):
    cid = lax.axis_index("c")
    sid = lax.axis_index("s")
    wid = cid * NS + sid
    i32 = jnp.int32
    lanes = lax.iota(i32, 16)
    l7 = lanes & 7
    mask8 = lanes < 8
    zl = jnp.zeros((16,), i32)
    hh8 = sid * 8
    featv = l7 + hh8

    @pl.loop(0, ACCW // 16)
    def _zero(i):
        acc[pl.ds(i * 16, 16)] = jnp.zeros((16,), jnp.float32)

    headv = jnp.full((16,), 0, i32) + lax.div(sid, 2)

    @pl.loop(0, NCHB)
    def _chunk(i):
        base = cid * EPG + i * CHB
        c1 = pltpu.async_copy(src_hbm.at[pl.ds(base, CHB)], srci.at[0], dsem)
        c2 = pltpu.async_copy(trg_hbm.at[pl.ds(base, CHB)], trgi.at[0], dsem)
        c3 = pltpu.async_copy(w_hbm.at[pl.ds(base, CHB), :], wbuf, dsem)
        c1.wait()
        c2.wait()
        c3.wait()
        pltpu.sync_copy(proj_hbm.at[srci.at[0]], rows)

        @pl.loop(0, CHB, step=4)
        def _edge(c):
            for u in range(4):
                cc = jnp.full((16,), c + u, i32)
                wv = plsc.load_gather(wbuf, [cc, headv])
                v = plsc.load_gather(rows, [cc, featv])
                trgv = plsc.load_gather(trgi, [zl, cc])
                plsc.addupdate_scatter(acc, [trgv * 8 + lanes], v * wv,
                                       mask=mask8)

    pltpu.sync_copy(acc, num_hbm.at[wid])


def kernel(x, edge_index, W_proj, scoring_src, scoring_trg, W_skip, bias):
    f32 = jnp.float32
    i32 = jnp.int32
    eye8 = jnp.eye(H, dtype=f32)
    ss = (scoring_src.reshape(H, F)[:, :, None] * eye8[:, None, :]).reshape(HF, H)
    st = (scoring_trg.reshape(H, F)[:, :, None] * eye8[:, None, :]).reshape(HF, H)
    sst = jnp.concatenate([ss, st, jnp.zeros((HF, HF - 16), f32)], axis=1)
    r8 = jnp.kron(eye8, jnp.ones((1, F), f32))
    pmat = jnp.eye(HF, dtype=f32).reshape(16, 8, HF)

    xp = jnp.concatenate([x, jnp.zeros((NPAD - N, DIN), f32)], axis=0)
    epad = jnp.full((EPAD - E,), NPAD - 1, i32)
    srcp = jnp.concatenate([edge_index[0], epad])
    trgp = jnp.concatenate([edge_index[1], epad])

    proj, sab = pl.pallas_call(
        _proj_scores_body,
        grid=(NPAD // BLK,),
        in_specs=[
            pl.BlockSpec((BLK, DIN), lambda i: (i, 0)),
            pl.BlockSpec((DIN, HF), lambda i: (0, 0)),
            pl.BlockSpec((HF, HF), lambda i: (0, 0)),
        ],
        out_specs=[
            pl.BlockSpec((BLK, HF), lambda i: (i, 0)),
            pl.BlockSpec((BLK, HF), lambda i: (i, 0)),
        ],
        out_shape=[
            jax.ShapeDtypeStruct((NPAD, HF), f32),
            jax.ShapeDtypeStruct((NPAD, HF), f32),
        ],
    )(xp, W_proj, sst)

    mesh = plsc.VectorSubcoreMesh(core_axis_name="c", subcore_axis_name="s")
    cp = pltpu.CompilerParams()
    if "needs_layout_passes" in pltpu.CompilerParams.__dataclass_fields__:
        cp = dataclasses.replace(cp, needs_layout_passes=False)

    sc_scores = pl.kernel(
        _sc_scores_kernel,
        mesh=mesh,
        compiler_params=cp,
        out_type=[
            jax.ShapeDtypeStruct((NW, ACCW), f32),
            jax.ShapeDtypeStruct((EPAD, 16), f32),
        ],
        scratch_types=[
            pltpu.VMEM((1, CHA), i32),
            pltpu.VMEM((1, CHA), i32),
            pltpu.VMEM((CHA, HF), f32),
            pltpu.VMEM((CHA, HF), f32),
            pltpu.VMEM((CHA, 16), f32),
            pltpu.VMEM((ACCW,), f32),
            pltpu.SemaphoreType.DMA,
        ],
    )
    dens, wedge = sc_scores(srcp, trgp, sab)

    sc_num = pl.kernel(
        _sc_num_kernel,
        mesh=mesh,
        compiler_params=cp,
        out_type=jax.ShapeDtypeStruct((NW, ACCW), f32),
        scratch_types=[
            pltpu.VMEM((1, CHB), i32),
            pltpu.VMEM((1, CHB), i32),
            pltpu.VMEM((CHB, 16), f32),
            pltpu.VMEM((CHB, HF), f32),
            pltpu.VMEM((ACCW,), f32),
            pltpu.SemaphoreType.DMA,
        ],
    )
    nums = sc_num(srcp, trgp, wedge, proj)
    nums4 = nums.reshape(NC, 16, NPAD, H)
    dens3 = dens.reshape(NW, NPAD, H)

    out = pl.pallas_call(
        _epilogue_body,
        grid=(N // 200,),
        in_specs=[
            pl.BlockSpec((NC, 16, 200, H), lambda i: (0, 0, i, 0)),
            pl.BlockSpec((NW, 200, H), lambda i: (0, i, 0)),
            pl.BlockSpec((200, DIN), lambda i: (i, 0)),
            pl.BlockSpec((DIN, HF), lambda i: (0, 0)),
            pl.BlockSpec((1, HF), lambda i: (0, 0)),
            pl.BlockSpec((H, HF), lambda i: (0, 0)),
            pl.BlockSpec((16, H, HF), lambda i: (0, 0, 0)),
        ],
        out_specs=pl.BlockSpec((200, HF), lambda i: (i, 0)),
        out_shape=jax.ShapeDtypeStruct((N, HF), f32),
    )(nums4, dens3, x, W_skip, bias.reshape(1, HF), r8, pmat)
    return (out, edge_index)

# --- scband reference (transcript-rebuilt; emitter-appended) ---
"""Pipeline reference for scband-gatlayer-52845277610394 (READ-ONLY COPY).

The authoritative reference and input builder live on the scoring server;
editing this copy changes nothing except your own understanding.
"""

import jax, jax.numpy as jnp
import numpy as np

N, E, DIN, H, F = 10000, 320000, 128, 8, 16

def setup_inputs(seed: int = 0) -> dict:
    key = jax.random.key(seed)
    ks = jax.random.split(key, 7)
    x = jax.random.normal(ks[0], (N, DIN), dtype=jnp.float32)
    edge_index = jax.random.randint(ks[1], (2, E), 0, N, dtype=jnp.int32)
    # Glorot-ish scaled parameters
    W_proj = jax.random.normal(ks[2], (DIN, H * F), dtype=jnp.float32) * (2.0 / (DIN + H * F)) ** 0.5
    scoring_src = jax.random.normal(ks[3], (1, H, F), dtype=jnp.float32) * 0.1
    scoring_trg = jax.random.normal(ks[4], (1, H, F), dtype=jnp.float32) * 0.1
    W_skip = jax.random.normal(ks[5], (DIN, H * F), dtype=jnp.float32) * (2.0 / (DIN + H * F)) ** 0.5
    bias = jnp.zeros((H * F,), dtype=jnp.float32)
    return {"x": x, "edge_index": edge_index, "W_proj": W_proj,
            "scoring_src": scoring_src, "scoring_trg": scoring_trg,
            "W_skip": W_skip, "bias": bias}

def reference(x, edge_index, W_proj, scoring_src, scoring_trg, W_skip, bias):
    num_nodes = x.shape[0]
    # linear projection -> [N, H, F] (dropout_prob=0.0 so dropout is identity)
    proj = (x @ W_proj).reshape(-1, H, F)
    scores_source = jnp.sum(proj * scoring_src, axis=-1)  # [N, H]
    scores_target = jnp.sum(proj * scoring_trg, axis=-1)  # [N, H]
    src = edge_index[0]
    trg = edge_index[1]
    scores_source_lifted = scores_source[src]             # [E, H]
    scores_target_lifted = scores_target[trg]             # [E, H]
    proj_lifted = proj[src]                               # [E, H, F]
    scores_per_edge = jax.nn.leaky_relu(scores_source_lifted + scores_target_lifted, negative_slope=0.2)
    scores_per_edge = scores_per_edge - jnp.max(scores_per_edge)
    exp_scores = jnp.exp(scores_per_edge)
    denom = jax.ops.segment_sum(exp_scores, trg, num_segments=num_nodes)  # [N, H]
    attention = exp_scores / (denom[trg] + 1e-16)          # [E, H]
    weighted = proj_lifted * attention[..., None]          # [E, H, F]
    out = jax.ops.segment_sum(weighted, trg, num_segments=num_nodes)  # [N, H, F]
    # skip connection: out dim (16) != in dim (128) -> use skip_proj
    out = out + (x @ W_skip).reshape(-1, H, F)
    # concat heads
    out = out.reshape(-1, H * F)
    out = out + bias
    out = jax.nn.elu(out)
    return (out, edge_index)

if __name__ == "__main__":
    import jax
    _d = setup_inputs()
    print(jax.jit(kernel)(*tuple(_d.values())))

</pallas_src>

<mosaic_0001>
#map = affine_map<(d0, d1) -> (0)>
#map1 = affine_map<(d0, d1) -> (0, 0)>
module attributes {stable_mosaic.version = 14 : i64} {
  func.func @_sc_scores_kernel(%arg0: i32, %arg1: i32, %arg2: memref<327680xi32, #tpu.memory_space<hbm>>, %arg3: memref<327680xi32, #tpu.memory_space<hbm>>, %arg4: memref<10112x128xf32, #tpu.memory_space<hbm>>, %arg5: memref<32x80896xf32, #tpu.memory_space<hbm>>, %arg6: memref<327680x16xf32, #tpu.memory_space<hbm>>, %arg7: memref<1x64xi32, #tpu.memory_space<vmem>>, %arg8: memref<1x64xi32, #tpu.memory_space<vmem>>, %arg9: memref<64x128xf32, #tpu.memory_space<vmem>>, %arg10: memref<64x128xf32, #tpu.memory_space<vmem>>, %arg11: memref<64x16xf32, #tpu.memory_space<vmem>>, %arg12: memref<80896xf32, #tpu.memory_space<vmem>>, %arg13: memref<!tpu.dma_semaphore, #tpu.memory_space<semaphore_mem>>) attributes {dimension_semantics = [#tpu.dimension_semantics<core_parallel>, #tpu.dimension_semantics<subcore_parallel>], iteration_bounds = array<i64: 2, 16>, scalar_prefetch = 0 : i64, scratch_operands = 7 : i64, tpu.core_type = #tpu.core_type<sc_vector_subcore>, window_params = [{transform_indices = #map}, {transform_indices = #map}, {transform_indices = #map1}, {transform_indices = #map1}, {transform_indices = #map1}]} {
    %mul3A = arith.constant 16 : i32
    %mul3A_0 = arith.muli %arg0, %mul3A : i32
    %add3A = arith.addi %mul3A_0, %arg1 : i32
    %iota3A = tpu.iota {dimensions = array<i32: 0>} : vector<16xi32>
    %and3A = arith.constant 7 : i32
    %and3A_1 = vector.broadcast %and3A : i32 to vector<16xi32>
    %and3A_2 = arith.andi %iota3A, %and3A_1 : vector<16xi32>
    %add3A_3 = arith.constant 8 : i32
    %add3A_4 = vector.broadcast %add3A_3 : i32 to vector<16xi32>
    %add3A_5 = arith.addi %and3A_2, %add3A_4 : vector<16xi32>
    %lt3A = arith.constant 8 : i32
    %lt3A_6 = vector.broadcast %lt3A : i32 to vector<16xi32>
    %lt3A_7 = arith.cmpi slt, %iota3A, %lt3A_6 : vector<16xi32>
    %broadcast_in_dim3A = arith.constant 0 : i32
    %broadcast_in_dim3A_8 = vector.broadcast %broadcast_in_dim3A : i32 to vector<16xi32>
    %scan3A = arith.constant 0 : i32
    %scan3A_9 = arith.constant 5056 : i32
    %scan3A_10 = arith.addi %scan3A, %scan3A_9 : i32
    %scan3A_11 = arith.constant 1 : i32
    scf.for %scan3A_18 = %scan3A to %scan3A_10 step %scan3A_11  : i32 {
      %mul3A_19 = arith.constant 1 : i32
      %mul3A_20 = arith.muli %scan3A_18, %mul3A_19 : i32
      %add3A_21 = arith.constant 0 : i32
      %add3A_22 = arith.addi %add3A_21, %mul3A_20 : i32
      %broadcast_in_dim3A_23 = arith.constant 0.000000e+00 : f32
      %broadcast_in_dim3A_24 = vector.broadcast %broadcast_in_dim3A_23 : f32 to vector<16xf32>
      %mul3A_25 = arith.constant 16 : i32
      %mul3A_26 = arith.muli %add3A_22, %mul3A_25 : i32
      %swap3A = arith.index_cast %mul3A_26 : i32 to index
      %swap3A_27 = tpu.vector_load %arg12[%swap3A] {strides = array<i32>} : memref<80896xf32, #tpu.memory_space<vmem>>, vector<16xf32>,
      tpu.vector_store %arg12[%swap3A], %broadcast_in_dim3A_24 {strides = array<i32>} : memref<80896xf32, #tpu.memory_space<vmem>>, vector<16xf32>,
    }
    %scan3A_12 = arith.constant 5056 : i32
    %scan3A_13 = arith.constant 0 : i32
    %scan3A_14 = arith.constant 160 : i32
    %scan3A_15 = arith.addi %scan3A_13, %scan3A_14 : i32
    %scan3A_16 = arith.constant 1 : i32
    scf.for %scan3A_18 = %scan3A_13 to %scan3A_15 step %scan3A_16  : i32 {
      %mul3A_19 = arith.constant 1 : i32
      %mul3A_20 = arith.muli %scan3A_18, %mul3A_19 : i32
      %add3A_21 = arith.constant 0 : i32
      %add3A_22 = arith.addi %add3A_21, %mul3A_20 : i32
      %mul3A_23 = arith.constant 10240 : i32
      %mul3A_24 = arith.muli %add3A, %mul3A_23 : i32
      %mul3A_25 = arith.constant 64 : i32
      %mul3A_26 = arith.muli %add3A_22, %mul3A_25 : i32
      %add3A_27 = arith.addi %mul3A_24, %mul3A_26 : i32
      %dma_start3A = arith.constant 0 : i32
      %dma_start3A_28 = arith.constant 0 : i32
      %dma_start3A_29 = tpu.memref_slice %arg7[%dma_start3A, %dma_start3A_28] : memref<1x64xi32, #tpu.memory_space<vmem>> -> memref<1x64xi32, #tpu.memory_space<vmem>>
      %dma_start3A_30 = tpu.memref_squeeze %dma_start3A_29 : memref<1x64xi32, #tpu.memory_space<vmem>> -> memref<64xi32, #tpu.memory_space<vmem>>
      %dma_start3A_31 = tpu.memref_slice %arg2[%add3A_27] : memref<327680xi32, #tpu.memory_space<hbm>> -> memref<64xi32, #tpu.memory_space<hbm>>
      %dma_start3A_32 = arith.constant 0 : i32
      %dma_start3A_33 = tpu.memref_slice %arg7[%dma_start3A, %dma_start3A_32] : memref<1x64xi32, #tpu.memory_space<vmem>> -> memref<1x64xi32, #tpu.memory_space<vmem>>
      %dma_start3A_34 = tpu.memref_squeeze %dma_start3A_33 : memref<1x64xi32, #tpu.memory_space<vmem>> -> memref<64xi32, #tpu.memory_space<vmem>>
      %dma_start3A_35 = tpu.memref_slice %arg2[%add3A_27] : memref<327680xi32, #tpu.memory_space<hbm>> -> memref<64xi32, #tpu.memory_space<hbm>>
      tpu.enqueue_dma source(%dma_start3A_35 : memref<64xi32, #tpu.memory_space<hbm>>) target(%dma_start3A_34 : memref<64xi32, #tpu.memory_space<vmem>>) target_semaphore(%arg13 : memref<!tpu.dma_semaphore, #tpu.memory_space<semaphore_mem>>)
      %dma_start3A_36 = arith.constant 0 : i32
      %dma_start3A_37 = arith.constant 0 : i32
      %dma_start3A_38 = tpu.memref_slice %arg8[%dma_start3A_36, %dma_start3A_37] : memref<1x64xi32, #tpu.memory_space<vmem>> -> memref<1x64xi32, #tpu.memory_space<vmem>>
      %dma_start3A_39 = tpu.memref_squeeze %dma_start3A_38 : memref<1x64xi32, #tpu.memory_space<vmem>> -> memref<64xi32, #tpu.memory_space<vmem>>
      %dma_start3A_40 = tpu.memref_slice %arg3[%add3A_27] : memref<327680xi32, #tpu.memory_space<hbm>> -> memref<64xi32, #tpu.memory_space<hbm>>
      %dma_start3A_41 = arith.constant 0 : i32
      %dma_start3A_42 = tpu.memref_slice %arg8[%dma_start3A_36, %dma_start3A_41] : memref<1x64xi32, #tpu.memory_space<vmem>> -> memref<1x64xi32, #tpu.memory_space<vmem>>
      %dma_start3A_43 = tpu.memref_squeeze %dma_start3A_42 : memref<1x64xi32, #tpu.memory_space<vmem>> -> memref<64xi32, #tpu.memory_space<vmem>>
      %dma_start3A_44 = tpu.memref_slice %arg3[%add3A_27] : memref<327680xi32, #tpu.memory_space<hbm>> -> memref<64xi32, #tpu.memory_space<hbm>>
      tpu.enqueue_dma source(%dma_start3A_44 : memref<64xi32, #tpu.memory_space<hbm>>) target(%dma_start3A_43 : memref<64xi32, #tpu.memory_space<vmem>>) target_semaphore(%arg13 : memref<!tpu.dma_semaphore, #tpu.memory_space<semaphore_mem>>)
      %dma_wait3A = arith.constant 0 : i32
      %dma_wait3A_45 = arith.constant 0 : i32
      %dma_wait3A_46 = tpu.memref_slice %arg7[%dma_wait3A, %dma_wait3A_45] : memref<1x64xi32, #tpu.memory_space<vmem>> -> memref<1x64xi32, #tpu.memory_space<vmem>>
      %dma_wait3A_47 = tpu.memref_squeeze %dma_wait3A_46 : memref<1x64xi32, #tpu.memory_space<vmem>> -> memref<64xi32, #tpu.memory_space<vmem>>
      %dma_wait3A_48 = tpu.memref_slice %arg2[%add3A_27] : memref<327680xi32, #tpu.memory_space<hbm>> -> memref<64xi32, #tpu.memory_space<hbm>>
      %dma_wait3A_49 = arith.constant 0 : i32
      %dma_wait3A_50 = tpu.memref_slice %arg7[%dma_wait3A, %dma_wait3A_49] : memref<1x64xi32, #tpu.memory_space<vmem>> -> memref<1x64xi32, #tpu.memory_space<vmem>>
      %dma_wait3A_51 = tpu.memref_squeeze %dma_wait3A_50 : memref<1x64xi32, #tpu.memory_space<vmem>> -> memref<64xi32, #tpu.memory_space<vmem>>
      %dma_wait3A_52 = tpu.memref_slice %arg2[%add3A_27] : memref<327680xi32, #tpu.memory_space<hbm>> -> memref<64xi32, #tpu.memory_space<hbm>>
      tpu.wait_dma2 semaphore(%arg13 : memref<!tpu.dma_semaphore, #tpu.memory_space<semaphore_mem>>) src(%dma_wait3A_52 : memref<64xi32, #tpu.memory_space<hbm>>) dst(%dma_wait3A_51 : memref<64xi32, #tpu.memory_space<vmem>>)
      %dma_wait3A_53 = arith.constant 0 : i32
      %dma_wait3A_54 = arith.constant 0 : i32
      %dma_wait3A_55 = tpu.memref_slice %arg8[%dma_wait3A_53, %dma_wait3A_54] : memref<1x64xi32, #tpu.memory_space<vmem>> -> memref<1x64xi32, #tpu.memory_space<vmem>>
      %dma_wait3A_56 = tpu.memref_squeeze %dma_wait3A_55 : memref<1x64xi32, #tpu.memory_space<vmem>> -> memref<64xi32, #tpu.memory_space<vmem>>
      %dma_wait3A_57 = tpu.memref_slice %arg3[%add3A_27] : memref<327680xi32, #tpu.memory_space<hbm>> -> memref<64xi32, #tpu.memory_space<hbm>>
      %dma_wait3A_58 = arith.constant 0 : i32
      %dma_wait3A_59 = tpu.memref_slice %arg8[%dma_wait3A_53, %dma_wait3A_58] : memref<1x64xi32, #tpu.memory_space<vmem>> -> memref<1x64xi32, #tpu.memory_space<vmem>>
      %dma_wait3A_60 = tpu.memref_squeeze %dma_wait3A_59 : memref<1x64xi32, #tpu.memory_space<vmem>> -> memref<64xi32, #tpu.memory_space<vmem>>
      %dma_wait3A_61 = tpu.memref_slice %arg3[%add3A_27] : memref<327680xi32, #tpu.memory_space<hbm>> -> memref<64xi32, #tpu.memory_space<hbm>>
      tpu.wait_dma2 semaphore(%arg13 : memref<!tpu.dma_semaphore, #tpu.memory_space<semaphore_mem>>) src(%dma_wait3A_61 : memref<64xi32, #tpu.memory_space<hbm>>) dst(%dma_wait3A_60 : memref<64xi32, #tpu.memory_space<vmem>>)
      %dma_start3A_62 = arith.constant 0 : i32
      %dma_start3A_63 = arith.constant 0 : i32
      %dma_start3A_64 = tpu.memref_slice %arg7[%dma_start3A_62, %dma_start3A_63] : memref<1x64xi32, #tpu.memory_space<vmem>> -> memref<1x64xi32, #tpu.memory_space<vmem>>
      %dma_start3A_65 = tpu.memref_squeeze %dma_start3A_64 : memref<1x64xi32, #tpu.memory_space<vmem>> -> memref<64xi32, #tpu.memory_space<vmem>>
      %dma_start3A_66 = arith.constant 0 : i32
      %dma_start3A_67 = arith.constant 0 : i32
      %dma_start3A_68 = tpu.memref_slice %arg4[%dma_start3A_66, %dma_start3A_67] : memref<10112x128xf32, #tpu.memory_space<hbm>> -> memref<10112x128xf32, #tpu.memory_space<hbm>>
      tpu.enqueue_indirect_dma source(%dma_start3A_68 : memref<10112x128xf32, #tpu.memory_space<hbm>>) target(%arg9 : memref<64x128xf32, #tpu.memory_space<vmem>>) offsets(%dma_start3A_65 : memref<64xi32, #tpu.memory_space<vmem>>) semaphore(%arg13 : memref<!tpu.dma_semaphore, #tpu.memory_space<semaphore_mem>>)
      %dma_start3A_69 = arith.constant 0 : i32
      %dma_start3A_70 = arith.constant 0 : i32
      %dma_start3A_71 = tpu.memref_slice %arg8[%dma_start3A_69, %dma_start3A_70] : memref<1x64xi32, #tpu.memory_space<vmem>> -> memref<1x64xi32, #tpu.memory_space<vmem>>
      %dma_start3A_72 = tpu.memref_squeeze %dma_start3A_71 : memref<1x64xi32, #tpu.memory_space<vmem>> -> memref<64xi32, #tpu.memory_space<vmem>>
      %dma_start3A_73 = arith.constant 0 : i32
      %dma_start3A_74 = arith.constant 0 : i32
      %dma_start3A_75 = tpu.memref_slice %arg4[%dma_start3A_73, %dma_start3A_74] : memref<10112x128xf32, #tpu.memory_space<hbm>> -> memref<10112x128xf32, #tpu.memory_space<hbm>>
      tpu.enqueue_indirect_dma source(%dma_start3A_75 : memref<10112x128xf32, #tpu.memory_space<hbm>>) target(%arg10 : memref<64x128xf32, #tpu.memory_space<vmem>>) offsets(%dma_start3A_72 : memref<64xi32, #tpu.memory_space<vmem>>) semaphore(%arg13 : memref<!tpu.dma_semaphore, #tpu.memory_space<semaphore_mem>>)
      %dma_wait3A_76 = arith.constant 0 : i32
      %dma_wait3A_77 = arith.constant 0 : i32
      %dma_wait3A_78 = tpu.memref_slice %arg7[%dma_wait3A_76, %dma_wait3A_77] : memref<1x64xi32, #tpu.memory_space<vmem>> -> memref<1x64xi32, #tpu.memory_space<vmem>>
      %dma_wait3A_79 = tpu.memref_squeeze %dma_wait3A_78 : memref<1x64xi32, #tpu.memory_space<vmem>> -> memref<64xi32, #tpu.memory_space<vmem>>
      %dma_wait3A_80 = arith.constant 0 : i32
      %dma_wait3A_81 = arith.constant 0 : i32
      %dma_wait3A_82 = tpu.memref_slice %arg4[%dma_wait3A_80, %dma_wait3A_81] : memref<10112x128xf32, #tpu.memory_space<hbm>> -> memref<10112x128xf32, #tpu.memory_space<hbm>>
      tpu.wait_indirect_dma semaphore(%arg13 : memref<!tpu.dma_semaphore, #tpu.memory_space<semaphore_mem>>) src(%dma_wait3A_82 : memref<10112x128xf32, #tpu.memory_space<hbm>>) dst(%arg9 : memref<64x128xf32, #tpu.memory_space<vmem>>)
      %dma_wait3A_83 = arith.constant 0 : i32
      %dma_wait3A_84 = arith.constant 0 : i32
      %dma_wait3A_85 = tpu.memref_slice %arg8[%dma_wait3A_83, %dma_wait3A_84] : memref<1x64xi32, #tpu.memory_space<vmem>> -> memref<1x64xi32, #tpu.memory_space<vmem>>
      %dma_wait3A_86 = tpu.memref_squeeze %dma_wait3A_85 : memref<1x64xi32, #tpu.memory_space<vmem>> -> memref<64xi32, #tpu.memory_space<vmem>>
      %dma_wait3A_87 = arith.constant 0 : i32
      %dma_wait3A_88 = arith.constant 0 : i32
      %dma_wait3A_89 = tpu.memref_slice %arg4[%dma_wait3A_87, %dma_wait3A_88] : memref<10112x128xf32, #tpu.memory_space<hbm>> -> memref<10112x128xf32, #tpu.memory_space<hbm>>
      tpu.wait_indirect_dma semaphore(%arg13 : memref<!tpu.dma_semaphore, #tpu.memory_space<semaphore_mem>>) src(%dma_wait3A_89 : memref<10112x128xf32, #tpu.memory_space<hbm>>) dst(%arg10 : memref<64x128xf32, #tpu.memory_space<vmem>>)
      %scan3A_90 = arith.constant 0 : i32
      %scan3A_91 = arith.constant 32 : i32
      %scan3A_92 = arith.addi %scan3A_90, %scan3A_91 : i32
      %scan3A_93 = arith.constant 1 : i32
      scf.for %scan3A_95 = %scan3A_90 to %scan3A_92 step %scan3A_93  : i32 {
        %mul3A_96 = arith.constant 2 : i32
        %mul3A_97 = arith.muli %scan3A_95, %mul3A_96 : i32
        %add3A_98 = arith.constant 0 : i32
        %add3A_99 = arith.addi %add3A_98, %mul3A_97 : i32
        %add3A_100 = arith.constant 0 : i32
        %add3A_101 = arith.addi %add3A_99, %add3A_100 : i32
        %broadcast_in_dim3A_102 = vector.broadcast %add3A_101 : i32 to vector<16xi32>
        %gather3A = tpu.vector_load_idx %arg10[%broadcast_in_dim3A_102, %add3A_5] : memref<64x128xf32, #tpu.memory_space<vmem>>[vector<16xi32>, vector<16xi32>], vector<16xf32>,
        %add3A_103 = arith.constant 0 : i32
        %add3A_104 = arith.addi %add3A_99, %add3A_103 : i32
        %get3A = arith.index_cast %add3A_104 : i32 to index
        %get3A_105 = arith.constant 0 : index
        %get3A_106 = tpu.vector_load %arg9[%get3A, %get3A_105] {strides = array<i32>} : memref<64x128xf32, #tpu.memory_space<vmem>>, vector<16xf32>,
        %add3A_107 = arith.addf %get3A_106, %gather3A : vector<16xf32>
        %mul3A_108 = arith.constant 2.000000e-01 : f32
        %mul3A_109 = vector.broadcast %mul3A_108 : f32 to vector<16xf32>
        %mul3A_110 = arith.mulf %mul3A_109, %add3A_107 : vector<16xf32>
        %max3A = arith.maximumf %add3A_107, %mul3A_110 : vector<16xf32>
        %exp3A = math.exp %max3A : vector<16xf32>
        %add3A_111 = arith.constant 0 : i32
        %add3A_112 = arith.addi %add3A_99, %add3A_111 : i32
        %swap3A = arith.index_cast %add3A_112 : i32 to index
        %swap3A_113 = arith.constant 0 : index
        %swap3A_114 = tpu.vector_load %arg11[%swap3A, %swap3A_113] {strides = array<i32>} : memref<64x16xf32, #tpu.memory_space<vmem>>, vector<16xf32>,
        tpu.vector_store %arg11[%swap3A, %swap3A_113], %exp3A {strides = array<i32>} : memref<64x16xf32, #tpu.memory_space<vmem>>, vector<16xf32>,
        %gather3A_115 = tpu.vector_load_idx %arg8[%broadcast_in_dim3A_8, %broadcast_in_dim3A_102] : memref<1x64xi32, #tpu.memory_space<vmem>>[vector<16xi32>, vector<16xi32>], vector<16xi32>,
        %mul3A_116 = arith.constant 8 : i32
        %mul3A_117 = vector.broadcast %mul3A_116 : i32 to vector<16xi32>
        %mul3A_118 = arith.muli %gather3A_115, %mul3A_117 : vector<16xi32>
        %add3A_119 = arith.addi %mul3A_118, %iota3A : vector<16xi32>
        tpu.vector_store_idx %arg12[%add3A_119], %exp3A masked %lt3A_7 {add = true} : memref<80896xf32, #tpu.memory_space<vmem>>[vector<16xi32>], vector<16xf32>, vector<16xi1>
        %add3A_120 = arith.constant 1 : i32
        %add3A_121 = arith.addi %add3A_99, %add3A_120 : i32
        %broadcast_in_dim3A_122 = vector.broadcast %add3A_121 : i32 to vector<16xi32>
        %gather3A_123 = tpu.vector_load_idx %arg10[%broadcast_in_dim3A_122, %add3A_5] : memref<64x128xf32, #tpu.memory_space<vmem>>[vector<16xi32>, vector<16xi32>], vector<16xf32>,
        %add3A_124 = arith.constant 1 : i32
        %add3A_125 = arith.addi %add3A_99, %add3A_124 : i32
        %get3A_126 = arith.index_cast %add3A_125 : i32 to index
        %get3A_127 = arith.constant 0 : index
        %get3A_128 = tpu.vector_load %arg9[%get3A_126, %get3A_127] {strides = array<i32>} : memref<64x128xf32, #tpu.memory_space<vmem>>, vector<16xf32>,
        %add3A_129 = arith.addf %get3A_128, %gather3A_123 : vector<16xf32>
        %mul3A_130 = arith.constant 2.000000e-01 : f32
        %mul3A_131 = vector.broadcast %mul3A_130 : f32 to vector<16xf32>
        %mul3A_132 = arith.mulf %mul3A_131, %add3A_129 : vector<16xf32>
        %max3A_133 = arith.maximumf %add3A_129, %mul3A_132 : vector<16xf32>
        %exp3A_134 = math.exp %max3A_133 : vector<16xf32>
        %add3A_135 = arith.constant 1 : i32
        %add3A_136 = arith.addi %add3A_99, %add3A_135 : i32
        %swap3A_137 = arith.index_cast %add3A_136 : i32 to index
        %swap3A_138 = arith.constant 0 : index
        %swap3A_139 = tpu.vector_load %arg11[%swap3A_137, %swap3A_138] {strides = array<i32>} : memref<64x16xf32, #tpu.memory_space<vmem>>, vector<16xf32>,
        tpu.vector_store %arg11[%swap3A_137, %swap3A_138], %exp3A_134 {strides = array<i32>} : memref<64x16xf32, #tpu.memory_space<vmem>>, vector<16xf32>,
        %gather3A_140 = tpu.vector_load_idx %arg8[%broadcast_in_dim3A_8, %broadcast_in_dim3A_122] : memref<1x64xi32, #tpu.memory_space<vmem>>[vector<16xi32>, vector<16xi32>], vector<16xi32>,
        %mul3A_141 = arith.constant 8 : i32
        %mul3A_142 = vector.broadcast %mul3A_141 : i32 to vector<16xi32>
        %mul3A_143 = arith.muli %gather3A_140, %mul3A_142 : vector<16xi32>
        %add3A_144 = arith.addi %mul3A_143, %iota3A : vector<16xi32>
        tpu.vector_store_idx %arg12[%add3A_144], %exp3A_134 masked %lt3A_7 {add = true} : memref<80896xf32, #tpu.memory_space<vmem>>[vector<16xi32>], vector<16xf32>, vector<16xi1>
      }
      %scan3A_94 = arith.constant 32 : i32
      "tpu.region"() ({
        %run_scoped3A = tpu.sem_alloc : memref<!tpu.dma_semaphore, #tpu.memory_space<semaphore_mem>>
        %dma_start3A_95 = arith.constant 0 : i32
        %dma_start3A_96 = tpu.memref_slice %arg6[%add3A_27, %dma_start3A_95] : memref<327680x16xf32, #tpu.memory_space<hbm>> -> memref<64x16xf32, #tpu.memory_space<hbm>>
        %dma_start3A_97 = arith.constant 0 : i32
        %dma_start3A_98 = tpu.memref_slice %arg6[%add3A_27, %dma_start3A_97] : memref<327680x16xf32, #tpu.memory_space<hbm>> -> memref<64x16xf32, #tpu.memory_space<hbm>>
        tpu.enqueue_dma source(%arg11 : memref<64x16xf32, #tpu.memory_space<vmem>>) target(%dma_start3A_98 : memref<64x16xf32, #tpu.memory_space<hbm>>) target_semaphore(%run_scoped3A : memref<!tpu.dma_semaphore, #tpu.memory_space<semaphore_mem>>)
        %dma_wait3A_99 = arith.constant 0 : i32
        %dma_wait3A_100 = tpu.memref_slice %arg6[%add3A_27, %dma_wait3A_99] : memref<327680x16xf32, #tpu.memory_space<hbm>> -> memref<64x16xf32, #tpu.memory_space<hbm>>
        %dma_wait3A_101 = arith.constant 0 : i32
        %dma_wait3A_102 = tpu.memref_slice %arg6[%add3A_27, %dma_wait3A_101] : memref<327680x16xf32, #tpu.memory_space<hbm>> -> memref<64x16xf32, #tpu.memory_space<hbm>>
        tpu.wait_dma2 semaphore(%run_scoped3A : memref<!tpu.dma_semaphore, #tpu.memory_space<semaphore_mem>>) src(%arg11 : memref<64x16xf32, #tpu.memory_space<vmem>>) dst(%dma_wait3A_102 : memref<64x16xf32, #tpu.memory_space<hbm>>)
        tpu.yield
      }) : () -> ()
    }
    %scan3A_17 = arith.constant 160 : i32
    "tpu.region"() ({
      %run_scoped3A = tpu.sem_alloc : memref<!tpu.dma_semaphore, #tpu.memory_space<semaphore_mem>>
      %dma_start3A = arith.constant 0 : i32
      %dma_start3A_18 = tpu.memref_slice %arg5[%add3A, %dma_start3A] : memref<32x80896xf32, #tpu.memory_space<hbm>> -> memref<1x80896xf32, #tpu.memory_space<hbm>>
      %dma_start3A_19 = tpu.memref_squeeze %dma_start3A_18 : memref<1x80896xf32, #tpu.memory_space<hbm>> -> memref<80896xf32, #tpu.memory_space<hbm>>
      %dma_start3A_20 = arith.constant 0 : i32
      %dma_start3A_21 = tpu.memref_slice %arg5[%add3A, %dma_start3A_20] : memref<32x80896xf32, #tpu.memory_space<hbm>> -> memref<1x80896xf32, #tpu.memory_space<hbm>>
      %dma_start3A_22 = tpu.memref_squeeze %dma_start3A_21 : memref<1x80896xf32, #tpu.memory_space<hbm>> -> memref<80896xf32, #tpu.memory_space<hbm>>
      tpu.enqueue_dma source(%arg12 : memref<80896xf32, #tpu.memory_space<vmem>>) target(%dma_start3A_22 : memref<80896xf32, #tpu.memory_space<hbm>>) target_semaphore(%run_scoped3A : memref<!tpu.dma_semaphore, #tpu.memory_space<semaphore_mem>>)
      %dma_wait3A = arith.constant 0 : i32
      %dma_wait3A_23 = tpu.memref_slice %arg5[%add3A, %dma_wait3A] : memref<32x80896xf32, #tpu.memory_space<hbm>> -> memref<1x80896xf32, #tpu.memory_space<hbm>>
      %dma_wait3A_24 = tpu.memref_squeeze %dma_wait3A_23 : memref<1x80896xf32, #tpu.memory_space<hbm>> -> memref<80896xf32, #tpu.memory_space<hbm>>
      %dma_wait3A_25 = arith.constant 0 : i32
      %dma_wait3A_26 = tpu.memref_slice %arg5[%add3A, %dma_wait3A_25] : memref<32x80896xf32, #tpu.memory_space<hbm>> -> memref<1x80896xf32, #tpu.memory_space<hbm>>
      %dma_wait3A_27 = tpu.memref_squeeze %dma_wait3A_26 : memref<1x80896xf32, #tpu.memory_space<hbm>> -> memref<80896xf32, #tpu.memory_space<hbm>>
      tpu.wait_dma2 semaphore(%run_scoped3A : memref<!tpu.dma_semaphore, #tpu.memory_space<semaphore_mem>>) src(%arg12 : memref<80896xf32, #tpu.memory_space<vmem>>) dst(%dma_wait3A_27 : memref<80896xf32, #tpu.memory_space<hbm>>)
      tpu.yield
    }) : () -> ()
    return
  }
}

#map = affine_map<(d0, d1) -> (0)>
#map1 = affine_map<(d0, d1) -> (0, 0)>
module attributes {stable_mosaic.version = 14 : i64} {
  func.func @_sc_num_kernel(%arg0: i32, %arg1: i32, %arg2: memref<327680xi32, #tpu.memory_space<hbm>>, %arg3: memref<327680xi32, #tpu.memory_space<hbm>>, %arg4: memref<327680x16xf32, #tpu.memory_space<hbm>>, %arg5: memref<10112x128xf32, #tpu.memory_space<hbm>>, %arg6: memref<32x80896xf32, #tpu.memory_space<hbm>>, %arg7: memref<1x128xi32, #tpu.memory_space<vmem>>, %arg8: memref<1x128xi32, #tpu.memory_space<vmem>>, %arg9: memref<128x16xf32, #tpu.memory_space<vmem>>, %arg10: memref<128x128xf32, #tpu.memory_space<vmem>>, %arg11: memref<80896xf32, #tpu.memory_space<vmem>>, %arg12: memref<!tpu.dma_semaphore, #tpu.memory_space<semaphore_mem>>) attributes {dimension_semantics = [#tpu.dimension_semantics<core_parallel>, #tpu.dimension_semantics<subcore_parallel>], iteration_bounds = array<i64: 2, 16>, scalar_prefetch = 0 : i64, scratch_operands = 6 : i64, tpu.core_type = #tpu.core_type<sc_vector_subcore>, window_params = [{transform_indices = #map}, {transform_indices = #map}, {transform_indices = #map1}, {transform_indices = #map1}, {transform_indices = #map1}]} {
    %mul3A = arith.constant 16 : i32
    %mul3A_0 = arith.muli %arg0, %mul3A : i32
    %add3A = arith.addi %mul3A_0, %arg1 : i32
    %iota3A = tpu.iota {dimensions = array<i32: 0>} : vector<16xi32>
    %and3A = arith.constant 7 : i32
    %and3A_1 = vector.broadcast %and3A : i32 to vector<16xi32>
    %and3A_2 = arith.andi %iota3A, %and3A_1 : vector<16xi32>
    %lt3A = arith.constant 8 : i32
    %lt3A_3 = vector.broadcast %lt3A : i32 to vector<16xi32>
    %lt3A_4 = arith.cmpi slt, %iota3A, %lt3A_3 : vector<16xi32>
    %broadcast_in_dim3A = arith.constant 0 : i32
    %broadcast_in_dim3A_5 = vector.broadcast %broadcast_in_dim3A : i32 to vector<16xi32>
    %mul3A_6 = arith.constant 8 : i32
    %mul3A_7 = arith.muli %arg1, %mul3A_6 : i32
    %add3A_8 = vector.broadcast %mul3A_7 : i32 to vector<16xi32>
    %add3A_9 = arith.addi %and3A_2, %add3A_8 : vector<16xi32>
    %scan3A = arith.constant 0 : i32
    %scan3A_10 = arith.constant 5056 : i32
    %scan3A_11 = arith.addi %scan3A, %scan3A_10 : i32
    %scan3A_12 = arith.constant 1 : i32
    scf.for %scan3A_24 = %scan3A to %scan3A_11 step %scan3A_12  : i32 {
      %mul3A_25 = arith.constant 1 : i32
      %mul3A_26 = arith.muli %scan3A_24, %mul3A_25 : i32
      %add3A_27 = arith.constant 0 : i32
      %add3A_28 = arith.addi %add3A_27, %mul3A_26 : i32
      %broadcast_in_dim3A_29 = arith.constant 0.000000e+00 : f32
      %broadcast_in_dim3A_30 = vector.broadcast %broadcast_in_dim3A_29 : f32 to vector<16xf32>
      %mul3A_31 = arith.constant 16 : i32
      %mul3A_32 = arith.muli %add3A_28, %mul3A_31 : i32
      %swap3A = arith.index_cast %mul3A_32 : i32 to index
      %swap3A_33 = tpu.vector_load %arg11[%swap3A] {strides = array<i32>} : memref<80896xf32, #tpu.memory_space<vmem>>, vector<16xf32>,
      tpu.vector_store %arg11[%swap3A], %broadcast_in_dim3A_30 {strides = array<i32>} : memref<80896xf32, #tpu.memory_space<vmem>>, vector<16xf32>,
    }
    %scan3A_13 = arith.constant 5056 : i32
    %broadcast_in_dim3A_14 = arith.constant 0 : i32
    %broadcast_in_dim3A_15 = vector.broadcast %broadcast_in_dim3A_14 : i32 to vector<16xi32>
    %div3A = arith.constant 2 : i32
    %div3A_16 = arith.divsi %arg1, %div3A : i32
    %add3A_17 = vector.broadcast %div3A_16 : i32 to vector<16xi32>
    %add3A_18 = arith.addi %broadcast_in_dim3A_15, %add3A_17 : vector<16xi32>
    %scan3A_19 = arith.constant 0 : i32
    %scan3A_20 = arith.constant 1280 : i32
    %scan3A_21 = arith.addi %scan3A_19, %scan3A_20 : i32
    %scan3A_22 = arith.constant 1 : i32
    scf.for %scan3A_24 = %scan3A_19 to %scan3A_21 step %scan3A_22  : i32 {
      %mul3A_25 = arith.constant 1 : i32
      %mul3A_26 = arith.muli %scan3A_24, %mul3A_25 : i32
      %add3A_27 = arith.constant 0 : i32
      %add3A_28 = arith.addi %add3A_27, %mul3A_26 : i32
      %mul3A_29 = arith.constant 163840 : i32
      %mul3A_30 = arith.muli %arg0, %mul3A_29 : i32
      %mul3A_31 = arith.constant 128 : i32
      %mul3A_32 = arith.muli %add3A_28, %mul3A_31 : i32
      %add3A_33 = arith.addi %mul3A_30, %mul3A_32 : i32
      %dma_start3A = arith.constant 0 : i32
      %dma_start3A_34 = arith.constant 0 : i32
      %dma_start3A_35 = tpu.memref_slice %arg7[%dma_start3A, %dma_start3A_34] : memref<1x128xi32, #tpu.memory_space<vmem>> -> memref<1x128xi32, #tpu.memory_space<vmem>>
      %dma_start3A_36 = tpu.memref_squeeze %dma_start3A_35 : memref<1x128xi32, #tpu.memory_space<vmem>> -> memref<128xi32, #tpu.memory_space<vmem>>
      %dma_start3A_37 = tpu.memref_slice %arg2[%add3A_33] : memref<327680xi32, #tpu.memory_space<hbm>> -> memref<128xi32, #tpu.memory_space<hbm>>
      %dma_start3A_38 = arith.constant 0 : i32
      %dma_start3A_39 = tpu.memref_slice %arg7[%dma_start3A, %dma_start3A_38] : memref<1x128xi32, #tpu.memory_space<vmem>> -> memref<1x128xi32, #tpu.memory_space<vmem>>
      %dma_start3A_40 = tpu.memref_squeeze %dma_start3A_39 : memref<1x128xi32, #tpu.memory_space<vmem>> -> memref<128xi32, #tpu.memory_space<vmem>>
      %dma_start3A_41 = tpu.memref_slice %arg2[%add3A_33] : memref<327680xi32, #tpu.memory_space<hbm>> -> memref<128xi32, #tpu.memory_space<hbm>>
      tpu.enqueue_dma source(%dma_start3A_41 : memref<128xi32, #tpu.memory_space<hbm>>) target(%dma_start3A_40 : memref<128xi32, #tpu.memory_space<vmem>>) target_semaphore(%arg12 : memref<!tpu.dma_semaphore, #tpu.memory_space<semaphore_mem>>)
      %dma_start3A_42 = arith.constant 0 : i32
      %dma_start3A_43 = arith.constant 0 : i32
      %dma_start3A_44 = tpu.memref_slice %arg8[%dma_start3A_42, %dma_start3A_43] : memref<1x128xi32, #tpu.memory_space<vmem>> -> memref<1x128xi32, #tpu.memory_space<vmem>>
      %dma_start3A_45 = tpu.memref_squeeze %dma_start3A_44 : memref<1x128xi32, #tpu.memory_space<vmem>> -> memref<128xi32, #tpu.memory_space<vmem>>
      %dma_start3A_46 = tpu.memref_slice %arg3[%add3A_33] : memref<327680xi32, #tpu.memory_space<hbm>> -> memref<128xi32, #tpu.memory_space<hbm>>
      %dma_start3A_47 = arith.constant 0 : i32
      %dma_start3A_48 = tpu.memref_slice %arg8[%dma_start3A_42, %dma_start3A_47] : memref<1x128xi32, #tpu.memory_space<vmem>> -> memref<1x128xi32, #tpu.memory_space<vmem>>
      %dma_start3A_49 = tpu.memref_squeeze %dma_start3A_48 : memref<1x128xi32, #tpu.memory_space<vmem>> -> memref<128xi32, #tpu.memory_space<vmem>>
      %dma_start3A_50 = tpu.memref_slice %arg3[%add3A_33] : memref<327680xi32, #tpu.memory_space<hbm>> -> memref<128xi32, #tpu.memory_space<hbm>>
      tpu.enqueue_dma source(%dma_start3A_50 : memref<128xi32, #tpu.memory_space<hbm>>) target(%dma_start3A_49 : memref<128xi32, #tpu.memory_space<vmem>>) target_semaphore(%arg12 : memref<!tpu.dma_semaphore, #tpu.memory_space<semaphore_mem>>)
      %dma_start3A_51 = arith.constant 0 : i32
      %dma_start3A_52 = tpu.memref_slice %arg4[%add3A_33, %dma_start3A_51] : memref<327680x16xf32, #tpu.memory_space<hbm>> -> memref<128x16xf32, #tpu.memory_space<hbm>>
      %dma_start3A_53 = arith.constant 0 : i32
      %dma_start3A_54 = tpu.memref_slice %arg4[%add3A_33, %dma_start3A_53] : memref<327680x16xf32, #tpu.memory_space<hbm>> -> memref<128x16xf32, #tpu.memory_space<hbm>>
      tpu.enqueue_dma source(%dma_start3A_54 : memref<128x16xf32, #tpu.memory_space<hbm>>) target(%arg9 : memref<128x16xf32, #tpu.memory_space<vmem>>) target_semaphore(%arg12 : memref<!tpu.dma_semaphore, #tpu.memory_space<semaphore_mem>>)
      %dma_wait3A = arith.constant 0 : i32
      %dma_wait3A_55 = arith.constant 0 : i32
      %dma_wait3A_56 = tpu.memref_slice %arg7[%dma_wait3A, %dma_wait3A_55] : memref<1x128xi32, #tpu.memory_space<vmem>> -> memref<1x128xi32, #tpu.memory_space<vmem>>
      %dma_wait3A_57 = tpu.memref_squeeze %dma_wait3A_56 : memref<1x128xi32, #tpu.memory_space<vmem>> -> memref<128xi32, #tpu.memory_space<vmem>>
      %dma_wait3A_58 = tpu.memref_slice %arg2[%add3A_33] : memref<327680xi32, #tpu.memory_space<hbm>> -> memref<128xi32, #tpu.memory_space<hbm>>
      %dma_wait3A_59 = arith.constant 0 : i32
      %dma_wait3A_60 = tpu.memref_slice %arg7[%dma_wait3A, %dma_wait3A_59] : memref<1x128xi32, #tpu.memory_space<vmem>> -> memref<1x128xi32, #tpu.memory_space<vmem>>
      %dma_wait3A_61 = tpu.memref_squeeze %dma_wait3A_60 : memref<1x128xi32, #tpu.memory_space<vmem>> -> memref<128xi32, #tpu.memory_space<vmem>>
      %dma_wait3A_62 = tpu.memref_slice %arg2[%add3A_33] : memref<327680xi32, #tpu.memory_space<hbm>> -> memref<128xi32, #tpu.memory_space<hbm>>
      tpu.wait_dma2 semaphore(%arg12 : memref<!tpu.dma_semaphore, #tpu.memory_space<semaphore_mem>>) src(%dma_wait3A_62 : memref<128xi32, #tpu.memory_space<hbm>>) dst(%dma_wait3A_61 : memref<128xi32, #tpu.memory_space<vmem>>)
      %dma_wait3A_63 = arith.constant 0 : i32
      %dma_wait3A_64 = arith.constant 0 : i32
      %dma_wait3A_65 = tpu.memref_slice %arg8[%dma_wait3A_63, %dma_wait3A_64] : memref<1x128xi32, #tpu.memory_space<vmem>> -> memref<1x128xi32, #tpu.memory_space<vmem>>
      %dma_wait3A_66 = tpu.memref_squeeze %dma_wait3A_65 : memref<1x128xi32, #tpu.memory_space<vmem>> -> memref<128xi32, #tpu.memory_space<vmem>>
      %dma_wait3A_67 = tpu.memref_slice %arg3[%add3A_33] : memref<327680xi32, #tpu.memory_space<hbm>> -> memref<128xi32, #tpu.memory_space<hbm>>
      %dma_wait3A_68 = arith.constant 0 : i32
      %dma_wait3A_69 = tpu.memref_slice %arg8[%dma_wait3A_63, %dma_wait3A_68] : memref<1x128xi32, #tpu.memory_space<vmem>> -> memref<1x128xi32, #tpu.memory_space<vmem>>
      %dma_wait3A_70 = tpu.memref_squeeze %dma_wait3A_69 : memref<1x128xi32, #tpu.memory_space<vmem>> -> memref<128xi32, #tpu.memory_space<vmem>>
      %dma_wait3A_71 = tpu.memref_slice %arg3[%add3A_33] : memref<327680xi32, #tpu.memory_space<hbm>> -> memref<128xi32, #tpu.memory_space<hbm>>
      tpu.wait_dma2 semaphore(%arg12 : memref<!tpu.dma_semaphore, #tpu.memory_space<semaphore_mem>>) src(%dma_wait3A_71 : memref<128xi32, #tpu.memory_space<hbm>>) dst(%dma_wait3A_70 : memref<128xi32, #tpu.memory_space<vmem>>)
      %dma_wait3A_72 = arith.constant 0 : i32
      %dma_wait3A_73 = tpu.memref_slice %arg4[%add3A_33, %dma_wait3A_72] : memref<327680x16xf32, #tpu.memory_space<hbm>> -> memref<128x16xf32, #tpu.memory_space<hbm>>
      %dma_wait3A_74 = arith.constant 0 : i32
      %dma_wait3A_75 = tpu.memref_slice %arg4[%add3A_33, %dma_wait3A_74] : memref<327680x16xf32, #tpu.memory_space<hbm>> -> memref<128x16xf32, #tpu.memory_space<hbm>>
      tpu.wait_dma2 semaphore(%arg12 : memref<!tpu.dma_semaphore, #tpu.memory_space<semaphore_mem>>) src(%dma_wait3A_75 : memref<128x16xf32, #tpu.memory_space<hbm>>) dst(%arg9 : memref<128x16xf32, #tpu.memory_space<vmem>>)
      %run_scoped3A = arith.constant 0 : i32
      "tpu.region"() ({
        %run_scoped3A_81 = tpu.sem_alloc : memref<!tpu.dma_semaphore, #tpu.memory_space<semaphore_mem>>
        %dma_start3A_82 = arith.constant 0 : i32
        %dma_start3A_83 = tpu.memref_slice %arg7[%run_scoped3A, %dma_start3A_82] : memref<1x128xi32, #tpu.memory_space<vmem>> -> memref<1x128xi32, #tpu.memory_space<vmem>>
        %dma_start3A_84 = tpu.memref_squeeze %dma_start3A_83 : memref<1x128xi32, #tpu.memory_space<vmem>> -> memref<128xi32, #tpu.memory_space<vmem>>
        %dma_start3A_85 = arith.constant 0 : i32
        %dma_start3A_86 = arith.constant 0 : i32
        %dma_start3A_87 = tpu.memref_slice %arg5[%dma_start3A_85, %dma_start3A_86] : memref<10112x128xf32, #tpu.memory_space<hbm>> -> memref<10112x128xf32, #tpu.memory_space<hbm>>
        tpu.enqueue_indirect_dma source(%dma_start3A_87 : memref<10112x128xf32, #tpu.memory_space<hbm>>) target(%arg10 : memref<128x128xf32, #tpu.memory_space<vmem>>) offsets(%dma_start3A_84 : memref<128xi32, #tpu.memory_space<vmem>>) semaphore(%run_scoped3A_81 : memref<!tpu.dma_semaphore, #tpu.memory_space<semaphore_mem>>)
        %dma_wait3A_88 = arith.constant 0 : i32
        %dma_wait3A_89 = tpu.memref_slice %arg7[%run_scoped3A, %dma_wait3A_88] : memref<1x128xi32, #tpu.memory_space<vmem>> -> memref<1x128xi32, #tpu.memory_space<vmem>>
        %dma_wait3A_90 = tpu.memref_squeeze %dma_wait3A_89 : memref<1x128xi32, #tpu.memory_space<vmem>> -> memref<128xi32, #tpu.memory_space<vmem>>
        %dma_wait3A_91 = arith.constant 0 : i32
        %dma_wait3A_92 = arith.constant 0 : i32
        %dma_wait3A_93 = tpu.memref_slice %arg5[%dma_wait3A_91, %dma_wait3A_92] : memref<10112x128xf32, #tpu.memory_space<hbm>> -> memref<10112x128xf32, #tpu.memory_space<hbm>>
        tpu.wait_indirect_dma semaphore(%run_scoped3A_81 : memref<!tpu.dma_semaphore, #tpu.memory_space<semaphore_mem>>) src(%dma_wait3A_93 : memref<10112x128xf32, #tpu.memory_space<hbm>>) dst(%arg10 : memref<128x128xf32, #tpu.memory_space<vmem>>)
        tpu.yield
      }) : () -> ()
      %scan3A_76 = arith.constant 0 : i32
      %scan3A_77 = arith.constant 32 : i32
      %scan3A_78 = arith.addi %scan3A_76, %scan3A_77 : i32
      %scan3A_79 = arith.constant 1 : i32
      scf.for %scan3A_81 = %scan3A_76 to %scan3A_78 step %scan3A_79  : i32 {
        %mul3A_82 = arith.constant 4 : i32
        %mul3A_83 = arith.muli %scan3A_81, %mul3A_82 : i32
        %add3A_84 = arith.constant 0 : i32
        %add3A_85 = arith.addi %add3A_84, %mul3A_83 : i32
        %add3A_86 = arith.constant 0 : i32
        %add3A_87 = arith.addi %add3A_85, %add3A_86 : i32
        %broadcast_in_dim3A_88 = vector.broadcast %add3A_87 : i32 to vector<16xi32>
        %gather3A = tpu.vector_load_idx %arg9[%broadcast_in_dim3A_88, %add3A_18] : memref<128x16xf32, #tpu.memory_space<vmem>>[vector<16xi32>, vector<16xi32>], vector<16xf32>,
        %gather3A_89 = tpu.vector_load_idx %arg10[%broadcast_in_dim3A_88, %add3A_9] : memref<128x128xf32, #tpu.memory_space<vmem>>[vector<16xi32>, vector<16xi32>], vector<16xf32>,
        %gather3A_90 = tpu.vector_load_idx %arg8[%broadcast_in_dim3A_5, %broadcast_in_dim3A_88] : memref<1x128xi32, #tpu.memory_space<vmem>>[vector<16xi32>, vector<16xi32>], vector<16xi32>,
        %mul3A_91 = arith.constant 8 : i32
        %mul3A_92 = vector.broadcast %mul3A_91 : i32 to vector<16xi32>
        %mul3A_93 = arith.muli %gather3A_90, %mul3A_92 : vector<16xi32>
        %add3A_94 = arith.addi %mul3A_93, %iota3A : vector<16xi32>
        %mul3A_95 = arith.mulf %gather3A_89, %gather3A : vector<16xf32>
        tpu.vector_store_idx %arg11[%add3A_94], %mul3A_95 masked %lt3A_4 {add = true} : memref<80896xf32, #tpu.memory_space<vmem>>[vector<16xi32>], vector<16xf32>, vector<16xi1>
        %add3A_96 = arith.constant 1 : i32
        %add3A_97 = arith.addi %add3A_85, %add3A_96 : i32
        %broadcast_in_dim3A_98 = vector.broadcast %add3A_97 : i32 to vector<16xi32>
        %gather3A_99 = tpu.vector_load_idx %arg9[%broadcast_in_dim3A_98, %add3A_18] : memref<128x16xf32, #tpu.memory_space<vmem>>[vector<16xi32>, vector<16xi32>], vector<16xf32>,
        %gather3A_100 = tpu.vector_load_idx %arg10[%broadcast_in_dim3A_98, %add3A_9] : memref<128x128xf32, #tpu.memory_space<vmem>>[vector<16xi32>, vector<16xi32>], vector<16xf32>,
        %gather3A_101 = tpu.vector_load_idx %arg8[%broadcast_in_dim3A_5, %broadcast_in_dim3A_98] : memref<1x128xi32, #tpu.memory_space<vmem>>[vector<16xi32>, vector<16xi32>], vector<16xi32>,
        %mul3A_102 = arith.constant 8 : i32
        %mul3A_103 = vector.broadcast %mul3A_102 : i32 to vector<16xi32>
        %mul3A_104 = arith.muli %gather3A_101, %mul3A_103 : vector<16xi32>
        %add3A_105 = arith.addi %mul3A_104, %iota3A : vector<16xi32>
        %mul3A_106 = arith.mulf %gather3A_100, %gather3A_99 : vector<16xf32>
        tpu.vector_store_idx %arg11[%add3A_105], %mul3A_106 masked %lt3A_4 {add = true} : memref<80896xf32, #tpu.memory_space<vmem>>[vector<16xi32>], vector<16xf32>, vector<16xi1>
        %add3A_107 = arith.constant 2 : i32
        %add3A_108 = arith.addi %add3A_85, %add3A_107 : i32
        %broadcast_in_dim3A_109 = vector.broadcast %add3A_108 : i32 to vector<16xi32>
        %gather3A_110 = tpu.vector_load_idx %arg9[%broadcast_in_dim3A_109, %add3A_18] : memref<128x16xf32, #tpu.memory_space<vmem>>[vector<16xi32>, vector<16xi32>], vector<16xf32>,
        %gather3A_111 = tpu.vector_load_idx %arg10[%broadcast_in_dim3A_109, %add3A_9] : memref<128x128xf32, #tpu.memory_space<vmem>>[vector<16xi32>, vector<16xi32>], vector<16xf32>,
        %gather3A_112 = tpu.vector_load_idx %arg8[%broadcast_in_dim3A_5, %broadcast_in_dim3A_109] : memref<1x128xi32, #tpu.memory_space<vmem>>[vector<16xi32>, vector<16xi32>], vector<16xi32>,
        %mul3A_113 = arith.constant 8 : i32
        %mul3A_114 = vector.broadcast %mul3A_113 : i32 to vector<16xi32>
        %mul3A_115 = arith.muli %gather3A_112, %mul3A_114 : vector<16xi32>
        %add3A_116 = arith.addi %mul3A_115, %iota3A : vector<16xi32>
        %mul3A_117 = arith.mulf %gather3A_111, %gather3A_110 : vector<16xf32>
        tpu.vector_store_idx %arg11[%add3A_116], %mul3A_117 masked %lt3A_4 {add = true} : memref<80896xf32, #tpu.memory_space<vmem>>[vector<16xi32>], vector<16xf32>, vector<16xi1>
        %add3A_118 = arith.constant 3 : i32
        %add3A_119 = arith.addi %add3A_85, %add3A_118 : i32
        %broadcast_in_dim3A_120 = vector.broadcast %add3A_119 : i32 to vector<16xi32>
        %gather3A_121 = tpu.vector_load_idx %arg9[%broadcast_in_dim3A_120, %add3A_18] : memref<128x16xf32, #tpu.memory_space<vmem>>[vector<16xi32>, vector<16xi32>], vector<16xf32>,
        %gather3A_122 = tpu.vector_load_idx %arg10[%broadcast_in_dim3A_120, %add3A_9] : memref<128x128xf32, #tpu.memory_space<vmem>>[vector<16xi32>, vector<16xi32>], vector<16xf32>,
        %gather3A_123 = tpu.vector_load_idx %arg8[%broadcast_in_dim3A_5, %broadcast_in_dim3A_120] : memref<1x128xi32, #tpu.memory_space<vmem>>[vector<16xi32>, vector<16xi32>], vector<16xi32>,
        %mul3A_124 = arith.constant 8 : i32
        %mul3A_125 = vector.broadcast %mul3A_124 : i32 to vector<16xi32>
        %mul3A_126 = arith.muli %gather3A_123, %mul3A_125 : vector<16xi32>
        %add3A_127 = arith.addi %mul3A_126, %iota3A : vector<16xi32>
        %mul3A_128 = arith.mulf %gather3A_122, %gather3A_121 : vector<16xf32>
        tpu.vector_store_idx %arg11[%add3A_127], %mul3A_128 masked %lt3A_4 {add = true} : memref<80896xf32, #tpu.memory_space<vmem>>[vector<16xi32>], vector<16xf32>, vector<16xi1>
      }
      %scan3A_80 = arith.constant 32 : i32
    }
    %scan3A_23 = arith.constant 1280 : i32
    "tpu.region"() ({
      %run_scoped3A = tpu.sem_alloc : memref<!tpu.dma_semaphore, #tpu.memory_space<semaphore_mem>>
      %dma_start3A = arith.constant 0 : i32
      %dma_start3A_24 = tpu.memref_slice %arg6[%add3A, %dma_start3A] : memref<32x80896xf32, #tpu.memory_space<hbm>> -> memref<1x80896xf32, #tpu.memory_space<hbm>>
      %dma_start3A_25 = tpu.memref_squeeze %dma_start3A_24 : memref<1x80896xf32, #tpu.memory_space<hbm>> -> memref<80896xf32, #tpu.memory_space<hbm>>
      %dma_start3A_26 = arith.constant 0 : i32
      %dma_start3A_27 = tpu.memref_slice %arg6[%add3A, %dma_start3A_26] : memref<32x80896xf32, #tpu.memory_space<hbm>> -> memref<1x80896xf32, #tpu.memory_space<hbm>>
      %dma_start3A_28 = tpu.memref_squeeze %dma_start3A_27 : memref<1x80896xf32, #tpu.memory_space<hbm>> -> memref<80896xf32, #tpu.memory_space<hbm>>
      tpu.enqueue_dma source(%arg11 : memref<80896xf32, #tpu.memory_space<vmem>>) target(%dma_start3A_28 : memref<80896xf32, #tpu.memory_space<hbm>>) target_semaphore(%run_scoped3A : memref<!tpu.dma_semaphore, #tpu.memory_space<semaphore_mem>>)
      %dma_wait3A = arith.constant 0 : i32
      %dma_wait3A_29 = tpu.memref_slice %arg6[%add3A, %dma_wait3A] : memref<32x80896xf32, #tpu.memory_space<hbm>> -> memref<1x80896xf32, #tpu.memory_space<hbm>>
      %dma_wait3A_30 = tpu.memref_squeeze %dma_wait3A_29 : memref<1x80896xf32, #tpu.memory_space<hbm>> -> memref<80896xf32, #tpu.memory_space<hbm>>
      %dma_wait3A_31 = arith.constant 0 : i32
      %dma_wait3A_32 = tpu.memref_slice %arg6[%add3A, %dma_wait3A_31] : memref<32x80896xf32, #tpu.memory_space<hbm>> -> memref<1x80896xf32, #tpu.memory_space<hbm>>
      %dma_wait3A_33 = tpu.memref_squeeze %dma_wait3A_32 : memref<1x80896xf32, #tpu.memory_space<hbm>> -> memref<80896xf32, #tpu.memory_space<hbm>>
      tpu.wait_dma2 semaphore(%run_scoped3A : memref<!tpu.dma_semaphore, #tpu.memory_space<semaphore_mem>>) src(%arg11 : memref<80896xf32, #tpu.memory_space<vmem>>) dst(%dma_wait3A_33 : memref<80896xf32, #tpu.memory_space<hbm>>)
      tpu.yield
    }) : () -> ()
    return
  }
}

module attributes {stable_mosaic.version = 14 : i64} {
  func.func @_proj_scores_body(%arg0: i32, %arg1: memref<632x128xf32, #tpu.memory_space<vmem>>, %arg2: memref<128x128xf32, #tpu.memory_space<vmem>>, %arg3: memref<128x128xf32, #tpu.memory_space<vmem>>, %arg4: memref<632x128xf32, #tpu.memory_space<vmem>>, %arg5: memref<632x128xf32, #tpu.memory_space<vmem>>) attributes {dimension_semantics = [#tpu.dimension_semantics<arbitrary>], iteration_bounds = array<i64: 16>, scalar_prefetch = 0 : i64, scratch_operands = 0 : i64, tpu.core_type = #tpu.core_type<tc>, window_params = [{transform_indices = @transform_0, window_bounds = array<i64: 632, 128>}, {pipeline_mode = #tpu.pipeline_mode<synchronous>, transform_indices = @transform_1, window_bounds = array<i64: 128, 128>}, {pipeline_mode = #tpu.pipeline_mode<synchronous>, transform_indices = @transform_2, window_bounds = array<i64: 128, 128>}, {transform_indices = @transform_3, window_bounds = array<i64: 632, 128>}, {transform_indices = @transform_4, window_bounds = array<i64: 632, 128>}]} {
    %get3A = arith.constant 0 : index
    %get3A_0 = arith.constant 0 : index
    %get3A_1 = vector.load %arg1[%get3A, %get3A_0] : memref<632x128xf32, #tpu.memory_space<vmem>>, vector<632x128xf32>
    %get3A_2 = arith.constant 0 : index
    %get3A_3 = arith.constant 0 : index
    %get3A_4 = vector.load %arg2[%get3A_2, %get3A_3] : memref<128x128xf32, #tpu.memory_space<vmem>>, vector<128x128xf32>
    %dot_general3A = arith.constant dense<0.000000e+00> : vector<632x128xf32>
    %dot_general3A_5 = tpu.matmul %get3A_1, %get3A_4, %dot_general3A {dimension_numbers = #tpu.dot_dimension_numbers<[1], [0], [0], [1], [0, 0, 1, 1], [], []>, transpose_lhs_hint = false} : vector<632x128xf32>, vector<128x128xf32>, vector<632x128xf32> -> vector<632x128xf32>
    %swap3A = arith.constant 0 : index
    %swap3A_6 = arith.constant 0 : index
    %swap3A_7 = vector.load %arg4[%swap3A, %swap3A_6] : memref<632x128xf32, #tpu.memory_space<vmem>>, vector<632x128xf32>
    tpu.vector_store %arg4[%swap3A, %swap3A_6], %dot_general3A_5 {strides = array<i32>} : memref<632x128xf32, #tpu.memory_space<vmem>>, vector<632x128xf32>,
    %get3A_8 = arith.constant 0 : index
    %get3A_9 = arith.constant 0 : index
    %get3A_10 = vector.load %arg3[%get3A_8, %get3A_9] : memref<128x128xf32, #tpu.memory_space<vmem>>, vector<128x128xf32>
    %dot_general3A_11 = arith.constant dense<0.000000e+00> : vector<632x128xf32>
    %dot_general3A_12 = tpu.matmul %dot_general3A_5, %get3A_10, %dot_general3A_11 {dimension_numbers = #tpu.dot_dimension_numbers<[1], [0], [0], [1], [0, 0, 1, 1], [], []>, transpose_lhs_hint = false} : vector<632x128xf32>, vector<128x128xf32>, vector<632x128xf32> -> vector<632x128xf32>
    %swap3A_13 = arith.constant 0 : index
    %swap3A_14 = arith.constant 0 : index
    %swap3A_15 = vector.load %arg5[%swap3A_13, %swap3A_14] : memref<632x128xf32, #tpu.memory_space<vmem>>, vector<632x128xf32>
    tpu.vector_store %arg5[%swap3A_13, %swap3A_14], %dot_general3A_12 {strides = array<i32>} : memref<632x128xf32, #tpu.memory_space<vmem>>, vector<632x128xf32>,
    return
  }
  func.func @transform_0(%arg0: i32) -> (i32, i32) {
    %c0_i32 = arith.constant 0 : i32
    %c0_i32_0 = arith.constant 0 : i32
    return %arg0, %c0_i32 : i32, i32
  }
  func.func @transform_1(%arg0: i32) -> (i32, i32) {
    %c0_i32 = arith.constant 0 : i32
    %c0_i32_0 = arith.constant 0 : i32
    %c0_i32_1 = arith.constant 0 : i32
    return %c0_i32, %c0_i32_0 : i32, i32
  }
  func.func @transform_2(%arg0: i32) -> (i32, i32) {
    %c0_i32 = arith.constant 0 : i32
    %c0_i32_0 = arith.constant 0 : i32
    %c0_i32_1 = arith.constant 0 : i32
    return %c0_i32, %c0_i32_0 : i32, i32
  }
  func.func @transform_3(%arg0: i32) -> (i32, i32) {
    %c0_i32 = arith.constant 0 : i32
    %c0_i32_0 = arith.constant 0 : i32
    return %arg0, %c0_i32 : i32, i32
  }
  func.func @transform_4(%arg0: i32) -> (i32, i32) {
    %c0_i32 = arith.constant 0 : i32
    %c0_i32_0 = arith.constant 0 : i32
    return %arg0, %c0_i32 : i32, i32
  }
}

module attributes {stable_mosaic.version = 14 : i64} {
  func.func @_epilogue_body(%arg0: i32, %arg1: memref<2x16x200x8xf32, #tpu.memory_space<vmem>>, %arg2: memref<32x200x8xf32, #tpu.memory_space<vmem>>, %arg3: memref<200x128xf32, #tpu.memory_space<vmem>>, %arg4: memref<128x128xf32, #tpu.memory_space<vmem>>, %arg5: memref<1x128xf32, #tpu.memory_space<vmem>>, %arg6: memref<8x128xf32, #tpu.memory_space<vmem>>, %arg7: memref<16x8x128xf32, #tpu.memory_space<vmem>>, %arg8: memref<200x128xf32, #tpu.memory_space<vmem>>) attributes {dimension_semantics = [#tpu.dimension_semantics<arbitrary>], iteration_bounds = array<i64: 50>, scalar_prefetch = 0 : i64, scratch_operands = 0 : i64, tpu.core_type = #tpu.core_type<tc>, window_params = [{transform_indices = @transform_0, window_bounds = array<i64: 2, 16, 200, 8>}, {transform_indices = @transform_1, window_bounds = array<i64: 32, 200, 8>}, {transform_indices = @transform_2, window_bounds = array<i64: 200, 128>}, {pipeline_mode = #tpu.pipeline_mode<synchronous>, transform_indices = @transform_3, window_bounds = array<i64: 128, 128>}, {pipeline_mode = #tpu.pipeline_mode<synchronous>, transform_indices = @transform_4, window_bounds = array<i64: 1, 128>}, {pipeline_mode = #tpu.pipeline_mode<synchronous>, transform_indices = @transform_5, window_bounds = array<i64: 8, 128>}, {pipeline_mode = #tpu.pipeline_mode<synchronous>, transform_indices = @transform_6, window_bounds = array<i64: 16, 8, 128>}, {transform_indices = @transform_7, window_bounds = array<i64: 200, 128>}]} {
    %broadcast_in_dim3A = arith.constant 0.000000e+00 : f32
    %broadcast_in_dim3A_0 = vector.broadcast %broadcast_in_dim3A : f32 to vector<200x128xf32>
    %get3A = arith.constant 0 : index
    %get3A_1 = arith.constant 0 : index
    %get3A_2 = arith.constant 0 : index
    %get3A_3 = arith.constant 0 : index
    %get3A_4 = vector.load %arg1[%get3A, %get3A_1, %get3A_2, %get3A_3] : memref<2x16x200x8xf32, #tpu.memory_space<vmem>>, vector<1x1x200x8xf32>
    %get3A_5 = vector.shape_cast %get3A_4 : vector<1x1x200x8xf32> to vector<200x8xf32>
    %get3A_6 = arith.constant 1 : index
    %get3A_7 = arith.constant 0 : index
    %get3A_8 = arith.constant 0 : index
    %get3A_9 = arith.constant 0 : index
    %get3A_10 = vector.load %arg1[%get3A_6, %get3A_7, %get3A_8, %get3A_9] : memref<2x16x200x8xf32, #tpu.memory_space<vmem>>, vector<1x1x200x8xf32>
    %get3A_11 = vector.shape_cast %get3A_10 : vector<1x1x200x8xf32> to vector<200x8xf32>
    %add3A = arith.addf %get3A_5, %get3A_11 : vector<200x8xf32>
    %get3A_12 = arith.constant 0 : index
    %get3A_13 = arith.constant 0 : index
    %get3A_14 = arith.constant 0 : index
    %get3A_15 = vector.load %arg7[%get3A_12, %get3A_13, %get3A_14] : memref<16x8x128xf32, #tpu.memory_space<vmem>>, vector<1x8x128xf32>
    %get3A_16 = vector.shape_cast %get3A_15 : vector<1x8x128xf32> to vector<8x128xf32>
    %dot_general3A = arith.constant dense<0.000000e+00> : vector<200x128xf32>
    %dot_general3A_17 = tpu.matmul %add3A, %get3A_16, %dot_general3A {dimension_numbers = #tpu.dot_dimension_numbers<[1], [0], [0], [1], [0, 0, 1, 1], [], []>, transpose_lhs_hint = false} : vector<200x8xf32>, vector<8x128xf32>, vector<200x128xf32> -> vector<200x128xf32>
    %add3A_18 = arith.addf %broadcast_in_dim3A_0, %dot_general3A_17 : vector<200x128xf32>
    %get3A_19 = arith.constant 0 : index
    %get3A_20 = arith.constant 1 : index
    %get3A_21 = arith.constant 0 : index
    %get3A_22 = arith.constant 0 : index
    %get3A_23 = vector.load %arg1[%get3A_19, %get3A_20, %get3A_21, %get3A_22] : memref<2x16x200x8xf32, #tpu.memory_space<vmem>>, vector<1x1x200x8xf32>
    %get3A_24 = vector.shape_cast %get3A_23 : vector<1x1x200x8xf32> to vector<200x8xf32>
    %get3A_25 = arith.constant 1 : index
    %get3A_26 = arith.constant 1 : index
    %get3A_27 = arith.constant 0 : index
    %get3A_28 = arith.constant 0 : index
    %get3A_29 = vector.load %arg1[%get3A_25, %get3A_26, %get3A_27, %get3A_28] : memref<2x16x200x8xf32, #tpu.memory_space<vmem>>, vector<1x1x200x8xf32>
    %get3A_30 = vector.shape_cast %get3A_29 : vector<1x1x200x8xf32> to vector<200x8xf32>
    %add3A_31 = arith.addf %get3A_24, %get3A_30 : vector<200x8xf32>
    %get3A_32 = arith.constant 1 : index
    %get3A_33 = arith.constant 0 : index
    %get3A_34 = arith.constant 0 : index
    %get3A_35 = vector.load %arg7[%get3A_32, %get3A_33, %get3A_34] : memref<16x8x128xf32, #tpu.memory_space<vmem>>, vector<1x8x128xf32>
    %get3A_36 = vector.shape_cast %get3A_35 : vector<1x8x128xf32> to vector<8x128xf32>
    %dot_general3A_37 = arith.constant dense<0.000000e+00> : vector<200x128xf32>
    %dot_general3A_38 = tpu.matmul %add3A_31, %get3A_36, %dot_general3A_37 {dimension_numbers = #tpu.dot_dimension_numbers<[1], [0], [0], [1], [0, 0, 1, 1], [], []>, transpose_lhs_hint = false} : vector<200x8xf32>, vector<8x128xf32>, vector<200x128xf32> -> vector<200x128xf32>
    %add3A_39 = arith.addf %add3A_18, %dot_general3A_38 : vector<200x128xf32>
    %get3A_40 = arith.constant 0 : index
    %get3A_41 = arith.constant 2 : index
    %get3A_42 = arith.constant 0 : index
    %get3A_43 = arith.constant 0 : index
    %get3A_44 = vector.load %arg1[%get3A_40, %get3A_41, %get3A_42, %get3A_43] : memref<2x16x200x8xf32, #tpu.memory_space<vmem>>, vector<1x1x200x8xf32>
    %get3A_45 = vector.shape_cast %get3A_44 : vector<1x1x200x8xf32> to vector<200x8xf32>
    %get3A_46 = arith.constant 1 : index
    %get3A_47 = arith.constant 2 : index
    %get3A_48 = arith.constant 0 : index
    %get3A_49 = arith.constant 0 : index
    %get3A_50 = vector.load %arg1[%get3A_46, %get3A_47, %get3A_48, %get3A_49] : memref<2x16x200x8xf32, #tpu.memory_space<vmem>>, vector<1x1x200x8xf32>
    %get3A_51 = vector.shape_cast %get3A_50 : vector<1x1x200x8xf32> to vector<200x8xf32>
    %add3A_52 = arith.addf %get3A_45, %get3A_51 : vector<200x8xf32>
    %get3A_53 = arith.constant 2 : index
    %get3A_54 = arith.constant 0 : index
    %get3A_55 = arith.constant 0 : index
    %get3A_56 = vector.load %arg7[%get3A_53, %get3A_54, %get3A_55] : memref<16x8x128xf32, #tpu.memory_space<vmem>>, vector<1x8x128xf32>
    %get3A_57 = vector.shape_cast %get3A_56 : vector<1x8x128xf32> to vector<8x128xf32>
    %dot_general3A_58 = arith.constant dense<0.000000e+00> : vector<200x128xf32>
    %dot_general3A_59 = tpu.matmul %add3A_52, %get3A_57, %dot_general3A_58 {dimension_numbers = #tpu.dot_dimension_numbers<[1], [0], [0], [1], [0, 0, 1, 1], [], []>, transpose_lhs_hint = false} : vector<200x8xf32>, vector<8x128xf32>, vector<200x128xf32> -> vector<200x128xf32>
    %add3A_60 = arith.addf %add3A_39, %dot_general3A_59 : vector<200x128xf32>
    %get3A_61 = arith.constant 0 : index
    %get3A_62 = arith.constant 3 : index
    %get3A_63 = arith.constant 0 : index
    %get3A_64 = arith.constant 0 : index
    %get3A_65 = vector.load %arg1[%get3A_61, %get3A_62, %get3A_63, %get3A_64] : memref<2x16x200x8xf32, #tpu.memory_space<vmem>>, vector<1x1x200x8xf32>
    %get3A_66 = vector.shape_cast %get3A_65 : vector<1x1x200x8xf32> to vector<200x8xf32>
    %get3A_67 = arith.constant 1 : index
    %get3A_68 = arith.constant 3 : index
    %get3A_69 = arith.constant 0 : index
    %get3A_70 = arith.constant 0 : index
    %get3A_71 = vector.load %arg1[%get3A_67, %get3A_68, %get3A_69, %get3A_70] : memref<2x16x200x8xf32, #tpu.memory_space<vmem>>, vector<1x1x200x8xf32>
    %get3A_72 = vector.shape_cast %get3A_71 : vector<1x1x200x8xf32> to vector<200x8xf32>
    %add3A_73 = arith.addf %get3A_66, %get3A_72 : vector<200x8xf32>
    %get3A_74 = arith.constant 3 : index
    %get3A_75 = arith.constant 0 : index
    %get3A_76 = arith.constant 0 : index
    %get3A_77 = vector.load %arg7[%get3A_74, %get3A_75, %get3A_76] : memref<16x8x128xf32, #tpu.memory_space<vmem>>, vector<1x8x128xf32>
    %get3A_78 = vector.shape_cast %get3A_77 : vector<1x8x128xf32> to vector<8x128xf32>
    %dot_general3A_79 = arith.constant dense<0.000000e+00> : vector<200x128xf32>
    %dot_general3A_80 = tpu.matmul %add3A_73, %get3A_78, %dot_general3A_79 {dimension_numbers = #tpu.dot_dimension_numbers<[1], [0], [0], [1], [0, 0, 1, 1], [], []>, transpose_lhs_hint = false} : vector<200x8xf32>, vector<8x128xf32>, vector<200x128xf32> -> vector<200x128xf32>
    %add3A_81 = arith.addf %add3A_60, %dot_general3A_80 : vector<200x128xf32>
    %get3A_82 = arith.constant 0 : index
    %get3A_83 = arith.constant 4 : index
    %get3A_84 = arith.constant 0 : index
    %get3A_85 = arith.constant 0 : index
    %get3A_86 = vector.load %arg1[%get3A_82, %get3A_83, %get3A_84, %get3A_85] : memref<2x16x200x8xf32, #tpu.memory_space<vmem>>, vector<1x1x200x8xf32>
    %get3A_87 = vector.shape_cast %get3A_86 : vector<1x1x200x8xf32> to vector<200x8xf32>
    %get3A_88 = arith.constant 1 : index
    %get3A_89 = arith.constant 4 : index
    %get3A_90 = arith.constant 0 : index
    %get3A_91 = arith.constant 0 : index
    %get3A_92 = vector.load %arg1[%get3A_88, %get3A_89, %get3A_90, %get3A_91] : memref<2x16x200x8xf32, #tpu.memory_space<vmem>>, vector<1x1x200x8xf32>
    %get3A_93 = vector.shape_cast %get3A_92 : vector<1x1x200x8xf32> to vector<200x8xf32>
    %add3A_94 = arith.addf %get3A_87, %get3A_93 : vector<200x8xf32>
    %get3A_95 = arith.constant 4 : index
    %get3A_96 = arith.constant 0 : index
    %get3A_97 = arith.constant 0 : index
    %get3A_98 = vector.load %arg7[%get3A_95, %get3A_96, %get3A_97] : memref<16x8x128xf32, #tpu.memory_space<vmem>>, vector<1x8x128xf32>
    %get3A_99 = vector.shape_cast %get3A_98 : vector<1x8x128xf32> to vector<8x128xf32>
    %dot_general3A_100 = arith.constant dense<0.000000e+00> : vector<200x128xf32>
    %dot_general3A_101 = tpu.matmul %add3A_94, %get3A_99, %dot_general3A_100 {dimension_numbers = #tpu.dot_dimension_numbers<[1], [0], [0], [1], [0, 0, 1, 1], [], []>, transpose_lhs_hint = false} : vector<200x8xf32>, vector<8x128xf32>, vector<200x128xf32> -> vector<200x128xf32>
    %add3A_102 = arith.addf %add3A_81, %dot_general3A_101 : vector<200x128xf32>
    %get3A_103 = arith.constant 0 : index
    %get3A_104 = arith.constant 5 : index
    %get3A_105 = arith.constant 0 : index
    %get3A_106 = arith.constant 0 : index
    %get3A_107 = vector.load %arg1[%get3A_103, %get3A_104, %get3A_105, %get3A_106] : memref<2x16x200x8xf32, #tpu.memory_space<vmem>>, vector<1x1x200x8xf32>
    %get3A_108 = vector.shape_cast %get3A_107 : vector<1x1x200x8xf32> to vector<200x8xf32>
    %get3A_109 = arith.constant 1 : index
    %get3A_110 = arith.constant 5 : index
    %get3A_111 = arith.constant 0 : index
    %get3A_112 = arith.constant 0 : index
    %get3A_113 = vector.load %arg1[%get3A_109, %get3A_110, %get3A_111, %get3A_112] : memref<2x16x200x8xf32, #tpu.memory_space<vmem>>, vector<1x1x200x8xf32>
    %get3A_114 = vector.shape_cast %get3A_113 : vector<1x1x200x8xf32> to vector<200x8xf32>
    %add3A_115 = arith.addf %get3A_108, %get3A_114 : vector<200x8xf32>
    %get3A_116 = arith.constant 5 : index
    %get3A_117 = arith.constant 0 : index
    %get3A_118 = arith.constant 0 : index
    %get3A_119 = vector.load %arg7[%get3A_116, %get3A_117, %get3A_118] : memref<16x8x128xf32, #tpu.memory_space<vmem>>, vector<1x8x128xf32>
    %get3A_120 = vector.shape_cast %get3A_119 : vector<1x8x128xf32> to vector<8x128xf32>
    %dot_general3A_121 = arith.constant dense<0.000000e+00> : vector<200x128xf32>
    %dot_general3A_122 = tpu.matmul %add3A_115, %get3A_120, %dot_general3A_121 {dimension_numbers = #tpu.dot_dimension_numbers<[1], [0], [0], [1], [0, 0, 1, 1], [], []>, transpose_lhs_hint = false} : vector<200x8xf32>, vector<8x128xf32>, vector<200x128xf32> -> vector<200x128xf32>
    %add3A_123 = arith.addf %add3A_102, %dot_general3A_122 : vector<200x128xf32>
    %get3A_124 = arith.constant 0 : index
    %get3A_125 = arith.constant 6 : index
    %get3A_126 = arith.constant 0 : index
    %get3A_127 = arith.constant 0 : index
    %get3A_128 = vector.load %arg1[%get3A_124, %get3A_125, %get3A_126, %get3A_127] : memref<2x16x200x8xf32, #tpu.memory_space<vmem>>, vector<1x1x200x8xf32>
    %get3A_129 = vector.shape_cast %get3A_128 : vector<1x1x200x8xf32> to vector<200x8xf32>
    %get3A_130 = arith.constant 1 : index
    %get3A_131 = arith.constant 6 : index
    %get3A_132 = arith.constant 0 : index
    %get3A_133 = arith.constant 0 : index
    %get3A_134 = vector.load %arg1[%get3A_130, %get3A_131, %get3A_132, %get3A_133] : memref<2x16x200x8xf32, #tpu.memory_space<vmem>>, vector<1x1x200x8xf32>
    %get3A_135 = vector.shape_cast %get3A_134 : vector<1x1x200x8xf32> to vector<200x8xf32>
    %add3A_136 = arith.addf %get3A_129, %get3A_135 : vector<200x8xf32>
    %get3A_137 = arith.constant 6 : index
    %get3A_138 = arith.constant 0 : index
    %get3A_139 = arith.constant 0 : index
    %get3A_140 = vector.load %arg7[%get3A_137, %get3A_138, %get3A_139] : memref<16x8x128xf32, #tpu.memory_space<vmem>>, vector<1x8x128xf32>
    %get3A_141 = vector.shape_cast %get3A_140 : vector<1x8x128xf32> to vector<8x128xf32>
    %dot_general3A_142 = arith.constant dense<0.000000e+00> : vector<200x128xf32>
    %dot_general3A_143 = tpu.matmul %add3A_136, %get3A_141, %dot_general3A_142 {dimension_numbers = #tpu.dot_dimension_numbers<[1], [0], [0], [1], [0, 0, 1, 1], [], []>, transpose_lhs_hint = false} : vector<200x8xf32>, vector<8x128xf32>, vector<200x128xf32> -> vector<200x128xf32>
    %add3A_144 = arith.addf %add3A_123, %dot_general3A_143 : vector<200x128xf32>
    %get3A_145 = arith.constant 0 : index
    %get3A_146 = arith.constant 7 : index
    %get3A_147 = arith.constant 0 : index
    %get3A_148 = arith.constant 0 : index
    %get3A_149 = vector.load %arg1[%get3A_145, %get3A_146, %get3A_147, %get3A_148] : memref<2x16x200x8xf32, #tpu.memory_space<vmem>>, vector<1x1x200x8xf32>
    %get3A_150 = vector.shape_cast %get3A_149 : vector<1x1x200x8xf32> to vector<200x8xf32>
    %get3A_151 = arith.constant 1 : index
    %get3A_152 = arith.constant 7 : index
    %get3A_153 = arith.constant 0 : index
    %get3A_154 = arith.constant 0 : index
    %get3A_155 = vector.load %arg1[%get3A_151, %get3A_152, %get3A_153, %get3A_154] : memref<2x16x200x8xf32, #tpu.memory_space<vmem>>, vector<1x1x200x8xf32>
    %get3A_156 = vector.shape_cast %get3A_155 : vector<1x1x200x8xf32> to vector<200x8xf32>
    %add3A_157 = arith.addf %get3A_150, %get3A_156 : vector<200x8xf32>
    %get3A_158 = arith.constant 7 : index
    %get3A_159 = arith.constant 0 : index
    %get3A_160 = arith.constant 0 : index
    %get3A_161 = vector.load %arg7[%get3A_158, %get3A_159, %get3A_160] : memref<16x8x128xf32, #tpu.memory_space<vmem>>, vector<1x8x128xf32>
    %get3A_162 = vector.shape_cast %get3A_161 : vector<1x8x128xf32> to vector<8x128xf32>
    %dot_general3A_163 = arith.constant dense<0.000000e+00> : vector<200x128xf32>
    %dot_general3A_164 = tpu.matmul %add3A_157, %get3A_162, %dot_general3A_163 {dimension_numbers = #tpu.dot_dimension_numbers<[1], [0], [0], [1], [0, 0, 1, 1], [], []>, transpose_lhs_hint = false} : vector<200x8xf32>, vector<8x128xf32>, vector<200x128xf32> -> vector<200x128xf32>
    %add3A_165 = arith.addf %add3A_144, %dot_general3A_164 : vector<200x128xf32>
    %get3A_166 = arith.constant 0 : index
    %get3A_167 = arith.constant 8 : index
    %get3A_168 = arith.constant 0 : index
    %get3A_169 = arith.constant 0 : index
    %get3A_170 = vector.load %arg1[%get3A_166, %get3A_167, %get3A_168, %get3A_169] : memref<2x16x200x8xf32, #tpu.memory_space<vmem>>, vector<1x1x200x8xf32>
    %get3A_171 = vector.shape_cast %get3A_170 : vector<1x1x200x8xf32> to vector<200x8xf32>
    %get3A_172 = arith.constant 1 : index
    %get3A_173 = arith.constant 8 : index
    %get3A_174 = arith.constant 0 : index
    %get3A_175 = arith.constant 0 : index
    %get3A_176 = vector.load %arg1[%get3A_172, %get3A_173, %get3A_174, %get3A_175] : memref<2x16x200x8xf32, #tpu.memory_space<vmem>>, vector<1x1x200x8xf32>
    %get3A_177 = vector.shape_cast %get3A_176 : vector<1x1x200x8xf32> to vector<200x8xf32>
    %add3A_178 = arith.addf %get3A_171, %get3A_177 : vector<200x8xf32>
    %get3A_179 = arith.constant 8 : index
    %get3A_180 = arith.constant 0 : index
    %get3A_181 = arith.constant 0 : index
    %get3A_182 = vector.load %arg7[%get3A_179, %get3A_180, %get3A_181] : memref<16x8x128xf32, #tpu.memory_space<vmem>>, vector<1x8x128xf32>
    %get3A_183 = vector.shape_cast %get3A_182 : vector<1x8x128xf32> to vector<8x128xf32>
    %dot_general3A_184 = arith.constant dense<0.000000e+00> : vector<200x128xf32>
    %dot_general3A_185 = tpu.matmul %add3A_178, %get3A_183, %dot_general3A_184 {dimension_numbers = #tpu.dot_dimension_numbers<[1], [0], [0], [1], [0, 0, 1, 1], [], []>, transpose_lhs_hint = false} : vector<200x8xf32>, vector<8x128xf32>, vector<200x128xf32> -> vector<200x128xf32>
    %add3A_186 = arith.addf %add3A_165, %dot_general3A_185 : vector<200x128xf32>
    %get3A_187 = arith.constant 0 : index
    %get3A_188 = arith.constant 9 : index
    %get3A_189 = arith.constant 0 : index
    %get3A_190 = arith.constant 0 : index
    %get3A_191 = vector.load %arg1[%get3A_187, %get3A_188, %get3A_189, %get3A_190] : memref<2x16x200x8xf32, #tpu.memory_space<vmem>>, vector<1x1x200x8xf32>
    %get3A_192 = vector.shape_cast %get3A_191 : vector<1x1x200x8xf32> to vector<200x8xf32>
    %get3A_193 = arith.constant 1 : index
    %get3A_194 = arith.constant 9 : index
    %get3A_195 = arith.constant 0 : index
    %get3A_196 = arith.constant 0 : index
    %get3A_197 = vector.load %arg1[%get3A_193, %get3A_194, %get3A_195, %get3A_196] : memref<2x16x200x8xf32, #tpu.memory_space<vmem>>, vector<1x1x200x8xf32>
    %get3A_198 = vector.shape_cast %get3A_197 : vector<1x1x200x8xf32> to vector<200x8xf32>
    %add3A_199 = arith.addf %get3A_192, %get3A_198 : vector<200x8xf32>
    %get3A_200 = arith.constant 9 : index
    %get3A_201 = arith.constant 0 : index
    %get3A_202 = arith.constant 0 : index
    %get3A_203 = vector.load %arg7[%get3A_200, %get3A_201, %get3A_202] : memref<16x8x128xf32, #tpu.memory_space<vmem>>, vector<1x8x128xf32>
    %get3A_204 = vector.shape_cast %get3A_203 : vector<1x8x128xf32> to vector<8x128xf32>
    %dot_general3A_205 = arith.constant dense<0.000000e+00> : vector<200x128xf32>
    %dot_general3A_206 = tpu.matmul %add3A_199, %get3A_204, %dot_general3A_205 {dimension_numbers = #tpu.dot_dimension_numbers<[1], [0], [0], [1], [0, 0, 1, 1], [], []>, transpose_lhs_hint = false} : vector<200x8xf32>, vector<8x128xf32>, vector<200x128xf32> -> vector<200x128xf32>
    %add3A_207 = arith.addf %add3A_186, %dot_general3A_206 : vector<200x128xf32>
    %get3A_208 = arith.constant 0 : index
    %get3A_209 = arith.constant 10 : index
    %get3A_210 = arith.constant 0 : index
    %get3A_211 = arith.constant 0 : index
    %get3A_212 = vector.load %arg1[%get3A_208, %get3A_209, %get3A_210, %get3A_211] : memref<2x16x200x8xf32, #tpu.memory_space<vmem>>, vector<1x1x200x8xf32>
    %get3A_213 = vector.shape_cast %get3A_212 : vector<1x1x200x8xf32> to vector<200x8xf32>
    %get3A_214 = arith.constant 1 : index
    %get3A_215 = arith.constant 10 : index
    %get3A_216 = arith.constant 0 : index
    %get3A_217 = arith.constant 0 : index
    %get3A_218 = vector.load %arg1[%get3A_214, %get3A_215, %get3A_216, %get3A_217] : memref<2x16x200x8xf32, #tpu.memory_space<vmem>>, vector<1x1x200x8xf32>
    %get3A_219 = vector.shape_cast %get3A_218 : vector<1x1x200x8xf32> to vector<200x8xf32>
    %add3A_220 = arith.addf %get3A_213, %get3A_219 : vector<200x8xf32>
    %get3A_221 = arith.constant 10 : index
    %get3A_222 = arith.constant 0 : index
    %get3A_223 = arith.constant 0 : index
    %get3A_224 = vector.load %arg7[%get3A_221, %get3A_222, %get3A_223] : memref<16x8x128xf32, #tpu.memory_space<vmem>>, vector<1x8x128xf32>
    %get3A_225 = vector.shape_cast %get3A_224 : vector<1x8x128xf32> to vector<8x128xf32>
    %dot_general3A_226 = arith.constant dense<0.000000e+00> : vector<200x128xf32>
    %dot_general3A_227 = tpu.matmul %add3A_220, %get3A_225, %dot_general3A_226 {dimension_numbers = #tpu.dot_dimension_numbers<[1], [0], [0], [1], [0, 0, 1, 1], [], []>, transpose_lhs_hint = false} : vector<200x8xf32>, vector<8x128xf32>, vector<200x128xf32> -> vector<200x128xf32>
    %add3A_228 = arith.addf %add3A_207, %dot_general3A_227 : vector<200x128xf32>
    %get3A_229 = arith.constant 0 : index
    %get3A_230 = arith.constant 11 : index
    %get3A_231 = arith.constant 0 : index
    %get3A_232 = arith.constant 0 : index
    %get3A_233 = vector.load %arg1[%get3A_229, %get3A_230, %get3A_231, %get3A_232] : memref<2x16x200x8xf32, #tpu.memory_space<vmem>>, vector<1x1x200x8xf32>
    %get3A_234 = vector.shape_cast %get3A_233 : vector<1x1x200x8xf32> to vector<200x8xf32>
    %get3A_235 = arith.constant 1 : index
    %get3A_236 = arith.constant 11 : index
    %get3A_237 = arith.constant 0 : index
    %get3A_238 = arith.constant 0 : index
    %get3A_239 = vector.load %arg1[%get3A_235, %get3A_236, %get3A_237, %get3A_238] : memref<2x16x200x8xf32, #tpu.memory_space<vmem>>, vector<1x1x200x8xf32>
    %get3A_240 = vector.shape_cast %get3A_239 : vector<1x1x200x8xf32> to vector<200x8xf32>
    %add3A_241 = arith.addf %get3A_234, %get3A_240 : vector<200x8xf32>
    %get3A_242 = arith.constant 11 : index
    %get3A_243 = arith.constant 0 : index
    %get3A_244 = arith.constant 0 : index
    %get3A_245 = vector.load %arg7[%get3A_242, %get3A_243, %get3A_244] : memref<16x8x128xf32, #tpu.memory_space<vmem>>, vector<1x8x128xf32>
    %get3A_246 = vector.shape_cast %get3A_245 : vector<1x8x128xf32> to vector<8x128xf32>
    %dot_general3A_247 = arith.constant dense<0.000000e+00> : vector<200x128xf32>
    %dot_general3A_248 = tpu.matmul %add3A_241, %get3A_246, %dot_general3A_247 {dimension_numbers = #tpu.dot_dimension_numbers<[1], [0], [0], [1], [0, 0, 1, 1], [], []>, transpose_lhs_hint = false} : vector<200x8xf32>, vector<8x128xf32>, vector<200x128xf32> -> vector<200x128xf32>
    %add3A_249 = arith.addf %add3A_228, %dot_general3A_248 : vector<200x128xf32>
    %get3A_250 = arith.constant 0 : index
    %get3A_251 = arith.constant 12 : index
    %get3A_252 = arith.constant 0 : index
    %get3A_253 = arith.constant 0 : index
    %get3A_254 = vector.load %arg1[%get3A_250, %get3A_251, %get3A_252, %get3A_253] : memref<2x16x200x8xf32, #tpu.memory_space<vmem>>, vector<1x1x200x8xf32>
    %get3A_255 = vector.shape_cast %get3A_254 : vector<1x1x200x8xf32> to vector<200x8xf32>
    %get3A_256 = arith.constant 1 : index
    %get3A_257 = arith.constant 12 : index
    %get3A_258 = arith.constant 0 : index
    %get3A_259 = arith.constant 0 : index
    %get3A_260 = vector.load %arg1[%get3A_256, %get3A_257, %get3A_258, %get3A_259] : memref<2x16x200x8xf32, #tpu.memory_space<vmem>>, vector<1x1x200x8xf32>
    %get3A_261 = vector.shape_cast %get3A_260 : vector<1x1x200x8xf32> to vector<200x8xf32>
    %add3A_262 = arith.addf %get3A_255, %get3A_261 : vector<200x8xf32>
    %get3A_263 = arith.constant 12 : index
    %get3A_264 = arith.constant 0 : index
    %get3A_265 = arith.constant 0 : index
    %get3A_266 = vector.load %arg7[%get3A_263, %get3A_264, %get3A_265] : memref<16x8x128xf32, #tpu.memory_space<vmem>>, vector<1x8x128xf32>
    %get3A_267 = vector.shape_cast %get3A_266 : vector<1x8x128xf32> to vector<8x128xf32>
    %dot_general3A_268 = arith.constant dense<0.000000e+00> : vector<200x128xf32>
    %dot_general3A_269 = tpu.matmul %add3A_262, %get3A_267, %dot_general3A_268 {dimension_numbers = #tpu.dot_dimension_numbers<[1], [0], [0], [1], [0, 0, 1, 1], [], []>, transpose_lhs_hint = false} : vector<200x8xf32>, vector<8x128xf32>, vector<200x128xf32> -> vector<200x128xf32>
    %add3A_270 = arith.addf %add3A_249, %dot_general3A_269 : vector<200x128xf32>
    %get3A_271 = arith.constant 0 : index
    %get3A_272 = arith.constant 13 : index
    %get3A_273 = arith.constant 0 : index
    %get3A_274 = arith.constant 0 : index
    %get3A_275 = vector.load %arg1[%get3A_271, %get3A_272, %get3A_273, %get3A_274] : memref<2x16x200x8xf32, #tpu.memory_space<vmem>>, vector<1x1x200x8xf32>
    %get3A_276 = vector.shape_cast %get3A_275 : vector<1x1x200x8xf32> to vector<200x8xf32>
    %get3A_277 = arith.constant 1 : index
    %get3A_278 = arith.constant 13 : index
    %get3A_279 = arith.constant 0 : index
    %get3A_280 = arith.constant 0 : index
    %get3A_281 = vector.load %arg1[%get3A_277, %get3A_278, %get3A_279, %get3A_280] : memref<2x16x200x8xf32, #tpu.memory_space<vmem>>, vector<1x1x200x8xf32>
    %get3A_282 = vector.shape_cast %get3A_281 : vector<1x1x200x8xf32> to vector<200x8xf32>
    %add3A_283 = arith.addf %get3A_276, %get3A_282 : vector<200x8xf32>
    %get3A_284 = arith.constant 13 : index
    %get3A_285 = arith.constant 0 : index
    %get3A_286 = arith.constant 0 : index
    %get3A_287 = vector.load %arg7[%get3A_284, %get3A_285, %get3A_286] : memref<16x8x128xf32, #tpu.memory_space<vmem>>, vector<1x8x128xf32>
    %get3A_288 = vector.shape_cast %get3A_287 : vector<1x8x128xf32> to vector<8x128xf32>
    %dot_general3A_289 = arith.constant dense<0.000000e+00> : vector<200x128xf32>
    %dot_general3A_290 = tpu.matmul %add3A_283, %get3A_288, %dot_general3A_289 {dimension_numbers = #tpu.dot_dimension_numbers<[1], [0], [0], [1], [0, 0, 1, 1], [], []>, transpose_lhs_hint = false} : vector<200x8xf32>, vector<8x128xf32>, vector<200x128xf32> -> vector<200x128xf32>
    %add3A_291 = arith.addf %add3A_270, %dot_general3A_290 : vector<200x128xf32>
    %get3A_292 = arith.constant 0 : index
    %get3A_293 = arith.constant 14 : index
    %get3A_294 = arith.constant 0 : index
    %get3A_295 = arith.constant 0 : index
    %get3A_296 = vector.load %arg1[%get3A_292, %get3A_293, %get3A_294, %get3A_295] : memref<2x16x200x8xf32, #tpu.memory_space<vmem>>, vector<1x1x200x8xf32>
    %get3A_297 = vector.shape_cast %get3A_296 : vector<1x1x200x8xf32> to vector<200x8xf32>
    %get3A_298 = arith.constant 1 : index
    %get3A_299 = arith.constant 14 : index
    %get3A_300 = arith.constant 0 : index
    %get3A_301 = arith.constant 0 : index
    %get3A_302 = vector.load %arg1[%get3A_298, %get3A_299, %get3A_300, %get3A_301] : memref<2x16x200x8xf32, #tpu.memory_space<vmem>>, vector<1x1x200x8xf32>
    %get3A_303 = vector.shape_cast %get3A_302 : vector<1x1x200x8xf32> to vector<200x8xf32>
    %add3A_304 = arith.addf %get3A_297, %get3A_303 : vector<200x8xf32>
    %get3A_305 = arith.constant 14 : index
    %get3A_306 = arith.constant 0 : index
    %get3A_307 = arith.constant 0 : index
    %get3A_308 = vector.load %arg7[%get3A_305, %get3A_306, %get3A_307] : memref<16x8x128xf32, #tpu.memory_space<vmem>>, vector<1x8x128xf32>
    %get3A_309 = vector.shape_cast %get3A_308 : vector<1x8x128xf32> to vector<8x128xf32>
    %dot_general3A_310 = arith.constant dense<0.000000e+00> : vector<200x128xf32>
    %dot_general3A_311 = tpu.matmul %add3A_304, %get3A_309, %dot_general3A_310 {dimension_numbers = #tpu.dot_dimension_numbers<[1], [0], [0], [1], [0, 0, 1, 1], [], []>, transpose_lhs_hint = false} : vector<200x8xf32>, vector<8x128xf32>, vector<200x128xf32> -> vector<200x128xf32>
    %add3A_312 = arith.addf %add3A_291, %dot_general3A_311 : vector<200x128xf32>
    %get3A_313 = arith.constant 0 : index
    %get3A_314 = arith.constant 15 : index
    %get3A_315 = arith.constant 0 : index
    %get3A_316 = arith.constant 0 : index
    %get3A_317 = vector.load %arg1[%get3A_313, %get3A_314, %get3A_315, %get3A_316] : memref<2x16x200x8xf32, #tpu.memory_space<vmem>>, vector<1x1x200x8xf32>
    %get3A_318 = vector.shape_cast %get3A_317 : vector<1x1x200x8xf32> to vector<200x8xf32>
    %get3A_319 = arith.constant 1 : index
    %get3A_320 = arith.constant 15 : index
    %get3A_321 = arith.constant 0 : index
    %get3A_322 = arith.constant 0 : index
    %get3A_323 = vector.load %arg1[%get3A_319, %get3A_320, %get3A_321, %get3A_322] : memref<2x16x200x8xf32, #tpu.memory_space<vmem>>, vector<1x1x200x8xf32>
    %get3A_324 = vector.shape_cast %get3A_323 : vector<1x1x200x8xf32> to vector<200x8xf32>
    %add3A_325 = arith.addf %get3A_318, %get3A_324 : vector<200x8xf32>
    %get3A_326 = arith.constant 15 : index
    %get3A_327 = arith.constant 0 : index
    %get3A_328 = arith.constant 0 : index
    %get3A_329 = vector.load %arg7[%get3A_326, %get3A_327, %get3A_328] : memref<16x8x128xf32, #tpu.memory_space<vmem>>, vector<1x8x128xf32>
    %get3A_330 = vector.shape_cast %get3A_329 : vector<1x8x128xf32> to vector<8x128xf32>
    %dot_general3A_331 = arith.constant dense<0.000000e+00> : vector<200x128xf32>
    %dot_general3A_332 = tpu.matmul %add3A_325, %get3A_330, %dot_general3A_331 {dimension_numbers = #tpu.dot_dimension_numbers<[1], [0], [0], [1], [0, 0, 1, 1], [], []>, transpose_lhs_hint = false} : vector<200x8xf32>, vector<8x128xf32>, vector<200x128xf32> -> vector<200x128xf32>
    %add3A_333 = arith.addf %add3A_312, %dot_general3A_332 : vector<200x128xf32>
    %get3A_334 = arith.constant 0 : index
    %get3A_335 = arith.constant 0 : index
    %get3A_336 = arith.constant 0 : index
    %get3A_337 = vector.load %arg2[%get3A_334, %get3A_335, %get3A_336] : memref<32x200x8xf32, #tpu.memory_space<vmem>>, vector<1x200x8xf32>
    %get3A_338 = vector.shape_cast %get3A_337 : vector<1x200x8xf32> to vector<200x8xf32>
    %get3A_339 = arith.constant 1 : index
    %get3A_340 = arith.constant 0 : index
    %get3A_341 = arith.constant 0 : index
    %get3A_342 = vector.load %arg2[%get3A_339, %get3A_340, %get3A_341] : memref<32x200x8xf32, #tpu.memory_space<vmem>>, vector<1x200x8xf32>
    %get3A_343 = vector.shape_cast %get3A_342 : vector<1x200x8xf32> to vector<200x8xf32>
    %add3A_344 = arith.addf %get3A_338, %get3A_343 : vector<200x8xf32>
    %get3A_345 = arith.constant 2 : index
    %get3A_346 = arith.constant 0 : index
    %get3A_347 = arith.constant 0 : index
    %get3A_348 = vector.load %arg2[%get3A_345, %get3A_346, %get3A_347] : memref<32x200x8xf32, #tpu.memory_space<vmem>>, vector<1x200x8xf32>
    %get3A_349 = vector.shape_cast %get3A_348 : vector<1x200x8xf32> to vector<200x8xf32>
    %add3A_350 = arith.addf %add3A_344, %get3A_349 : vector<200x8xf32>
    %get3A_351 = arith.constant 3 : index
    %get3A_352 = arith.constant 0 : index
    %get3A_353 = arith.constant 0 : index
    %get3A_354 = vector.load %arg2[%get3A_351, %get3A_352, %get3A_353] : memref<32x200x8xf32, #tpu.memory_space<vmem>>, vector<1x200x8xf32>
    %get3A_355 = vector.shape_cast %get3A_354 : vector<1x200x8xf32> to vector<200x8xf32>
    %add3A_356 = arith.addf %add3A_350, %get3A_355 : vector<200x8xf32>
    %get3A_357 = arith.constant 4 : index
    %get3A_358 = arith.constant 0 : index
    %get3A_359 = arith.constant 0 : index
    %get3A_360 = vector.load %arg2[%get3A_357, %get3A_358, %get3A_359] : memref<32x200x8xf32, #tpu.memory_space<vmem>>, vector<1x200x8xf32>
    %get3A_361 = vector.shape_cast %get3A_360 : vector<1x200x8xf32> to vector<200x8xf32>
    %add3A_362 = arith.addf %add3A_356, %get3A_361 : vector<200x8xf32>
    %get3A_363 = arith.constant 5 : index
    %get3A_364 = arith.constant 0 : index
    %get3A_365 = arith.constant 0 : index
    %get3A_366 = vector.load %arg2[%get3A_363, %get3A_364, %get3A_365] : memref<32x200x8xf32, #tpu.memory_space<vmem>>, vector<1x200x8xf32>
    %get3A_367 = vector.shape_cast %get3A_366 : vector<1x200x8xf32> to vector<200x8xf32>
    %add3A_368 = arith.addf %add3A_362, %get3A_367 : vector<200x8xf32>
    %get3A_369 = arith.constant 6 : index
    %get3A_370 = arith.constant 0 : index
    %get3A_371 = arith.constant 0 : index
    %get3A_372 = vector.load %arg2[%get3A_369, %get3A_370, %get3A_371] : memref<32x200x8xf32, #tpu.memory_space<vmem>>, vector<1x200x8xf32>
    %get3A_373 = vector.shape_cast %get3A_372 : vector<1x200x8xf32> to vector<200x8xf32>
    %add3A_374 = arith.addf %add3A_368, %get3A_373 : vector<200x8xf32>
    %get3A_375 = arith.constant 7 : index
    %get3A_376 = arith.constant 0 : index
    %get3A_377 = arith.constant 0 : index
    %get3A_378 = vector.load %arg2[%get3A_375, %get3A_376, %get3A_377] : memref<32x200x8xf32, #tpu.memory_space<vmem>>, vector<1x200x8xf32>
    %get3A_379 = vector.shape_cast %get3A_378 : vector<1x200x8xf32> to vector<200x8xf32>
    %add3A_380 = arith.addf %add3A_374, %get3A_379 : vector<200x8xf32>
    %get3A_381 = arith.constant 8 : index
    %get3A_382 = arith.constant 0 : index
    %get3A_383 = arith.constant 0 : index
    %get3A_384 = vector.load %arg2[%get3A_381, %get3A_382, %get3A_383] : memref<32x200x8xf32, #tpu.memory_space<vmem>>, vector<1x200x8xf32>
    %get3A_385 = vector.shape_cast %get3A_384 : vector<1x200x8xf32> to vector<200x8xf32>
    %add3A_386 = arith.addf %add3A_380, %get3A_385 : vector<200x8xf32>
    %get3A_387 = arith.constant 9 : index
    %get3A_388 = arith.constant 0 : index
    %get3A_389 = arith.constant 0 : index
    %get3A_390 = vector.load %arg2[%get3A_387, %get3A_388, %get3A_389] : memref<32x200x8xf32, #tpu.memory_space<vmem>>, vector<1x200x8xf32>
    %get3A_391 = vector.shape_cast %get3A_390 : vector<1x200x8xf32> to vector<200x8xf32>
    %add3A_392 = arith.addf %add3A_386, %get3A_391 : vector<200x8xf32>
    %get3A_393 = arith.constant 10 : index
    %get3A_394 = arith.constant 0 : index
    %get3A_395 = arith.constant 0 : index
    %get3A_396 = vector.load %arg2[%get3A_393, %get3A_394, %get3A_395] : memref<32x200x8xf32, #tpu.memory_space<vmem>>, vector<1x200x8xf32>
    %get3A_397 = vector.shape_cast %get3A_396 : vector<1x200x8xf32> to vector<200x8xf32>
    %add3A_398 = arith.addf %add3A_392, %get3A_397 : vector<200x8xf32>
    %get3A_399 = arith.constant 11 : index
    %get3A_400 = arith.constant 0 : index
    %get3A_401 = arith.constant 0 : index
    %get3A_402 = vector.load %arg2[%get3A_399, %get3A_400, %get3A_401] : memref<32x200x8xf32, #tpu.memory_space<vmem>>, vector<1x200x8xf32>
    %get3A_403 = vector.shape_cast %get3A_402 : vector<1x200x8xf32> to vector<200x8xf32>
    %add3A_404 = arith.addf %add3A_398, %get3A_403 : vector<200x8xf32>
    %get3A_405 = arith.constant 12 : index
    %get3A_406 = arith.constant 0 : index
    %get3A_407 = arith.constant 0 : index
    %get3A_408 = vector.load %arg2[%get3A_405, %get3A_406, %get3A_407] : memref<32x200x8xf32, #tpu.memory_space<vmem>>, vector<1x200x8xf32>
    %get3A_409 = vector.shape_cast %get3A_408 : vector<1x200x8xf32> to vector<200x8xf32>
    %add3A_410 = arith.addf %add3A_404, %get3A_409 : vector<200x8xf32>
    %get3A_411 = arith.constant 13 : index
    %get3A_412 = arith.constant 0 : index
    %get3A_413 = arith.constant 0 : index
    %get3A_414 = vector.load %arg2[%get3A_411, %get3A_412, %get3A_413] : memref<32x200x8xf32, #tpu.memory_space<vmem>>, vector<1x200x8xf32>
    %get3A_415 = vector.shape_cast %get3A_414 : vector<1x200x8xf32> to vector<200x8xf32>
    %add3A_416 = arith.addf %add3A_410, %get3A_415 : vector<200x8xf32>
    %get3A_417 = arith.constant 14 : index
    %get3A_418 = arith.constant 0 : index
    %get3A_419 = arith.constant 0 : index
    %get3A_420 = vector.load %arg2[%get3A_417, %get3A_418, %get3A_419] : memref<32x200x8xf32, #tpu.memory_space<vmem>>, vector<1x200x8xf32>
    %get3A_421 = vector.shape_cast %get3A_420 : vector<1x200x8xf32> to vector<200x8xf32>
    %add3A_422 = arith.addf %add3A_416, %get3A_421 : vector<200x8xf32>
    %get3A_423 = arith.constant 15 : index
    %get3A_424 = arith.constant 0 : index
    %get3A_425 = arith.constant 0 : index
    %get3A_426 = vector.load %arg2[%get3A_423, %get3A_424, %get3A_425] : memref<32x200x8xf32, #tpu.memory_space<vmem>>, vector<1x200x8xf32>
    %get3A_427 = vector.shape_cast %get3A_426 : vector<1x200x8xf32> to vector<200x8xf32>
    %add3A_428 = arith.addf %add3A_422, %get3A_427 : vector<200x8xf32>
    %get3A_429 = arith.constant 16 : index
    %get3A_430 = arith.constant 0 : index
    %get3A_431 = arith.constant 0 : index
    %get3A_432 = vector.load %arg2[%get3A_429, %get3A_430, %get3A_431] : memref<32x200x8xf32, #tpu.memory_space<vmem>>, vector<1x200x8xf32>
    %get3A_433 = vector.shape_cast %get3A_432 : vector<1x200x8xf32> to vector<200x8xf32>
    %add3A_434 = arith.addf %add3A_428, %get3A_433 : vector<200x8xf32>
    %get3A_435 = arith.constant 17 : index
    %get3A_436 = arith.constant 0 : index
    %get3A_437 = arith.constant 0 : index
    %get3A_438 = vector.load %arg2[%get3A_435, %get3A_436, %get3A_437] : memref<32x200x8xf32, #tpu.memory_space<vmem>>, vector<1x200x8xf32>
    %get3A_439 = vector.shape_cast %get3A_438 : vector<1x200x8xf32> to vector<200x8xf32>
    %add3A_440 = arith.addf %add3A_434, %get3A_439 : vector<200x8xf32>
    %get3A_441 = arith.constant 18 : index
    %get3A_442 = arith.constant 0 : index
    %get3A_443 = arith.constant 0 : index
    %get3A_444 = vector.load %arg2[%get3A_441, %get3A_442, %get3A_443] : memref<32x200x8xf32, #tpu.memory_space<vmem>>, vector<1x200x8xf32>
    %get3A_445 = vector.shape_cast %get3A_444 : vector<1x200x8xf32> to vector<200x8xf32>
    %add3A_446 = arith.addf %add3A_440, %get3A_445 : vector<200x8xf32>
    %get3A_447 = arith.constant 19 : index
    %get3A_448 = arith.constant 0 : index
    %get3A_449 = arith.constant 0 : index
    %get3A_450 = vector.load %arg2[%get3A_447, %get3A_448, %get3A_449] : memref<32x200x8xf32, #tpu.memory_space<vmem>>, vector<1x200x8xf32>
    %get3A_451 = vector.shape_cast %get3A_450 : vector<1x200x8xf32> to vector<200x8xf32>
    %add3A_452 = arith.addf %add3A_446, %get3A_451 : vector<200x8xf32>
    %get3A_453 = arith.constant 20 : index
    %get3A_454 = arith.constant 0 : index
    %get3A_455 = arith.constant 0 : index
    %get3A_456 = vector.load %arg2[%get3A_453, %get3A_454, %get3A_455] : memref<32x200x8xf32, #tpu.memory_space<vmem>>, vector<1x200x8xf32>
    %get3A_457 = vector.shape_cast %get3A_456 : vector<1x200x8xf32> to vector<200x8xf32>
    %add3A_458 = arith.addf %add3A_452, %get3A_457 : vector<200x8xf32>
    %get3A_459 = arith.constant 21 : index
    %get3A_460 = arith.constant 0 : index
    %get3A_461 = arith.constant 0 : index
    %get3A_462 = vector.load %arg2[%get3A_459, %get3A_460, %get3A_461] : memref<32x200x8xf32, #tpu.memory_space<vmem>>, vector<1x200x8xf32>
    %get3A_463 = vector.shape_cast %get3A_462 : vector<1x200x8xf32> to vector<200x8xf32>
    %add3A_464 = arith.addf %add3A_458, %get3A_463 : vector<200x8xf32>
    %get3A_465 = arith.constant 22 : index
    %get3A_466 = arith.constant 0 : index
    %get3A_467 = arith.constant 0 : index
    %get3A_468 = vector.load %arg2[%get3A_465, %get3A_466, %get3A_467] : memref<32x200x8xf32, #tpu.memory_space<vmem>>, vector<1x200x8xf32>
    %get3A_469 = vector.shape_cast %get3A_468 : vector<1x200x8xf32> to vector<200x8xf32>
    %add3A_470 = arith.addf %add3A_464, %get3A_469 : vector<200x8xf32>
    %get3A_471 = arith.constant 23 : index
    %get3A_472 = arith.constant 0 : index
    %get3A_473 = arith.constant 0 : index
    %get3A_474 = vector.load %arg2[%get3A_471, %get3A_472, %get3A_473] : memref<32x200x8xf32, #tpu.memory_space<vmem>>, vector<1x200x8xf32>
    %get3A_475 = vector.shape_cast %get3A_474 : vector<1x200x8xf32> to vector<200x8xf32>
    %add3A_476 = arith.addf %add3A_470, %get3A_475 : vector<200x8xf32>
    %get3A_477 = arith.constant 24 : index
    %get3A_478 = arith.constant 0 : index
    %get3A_479 = arith.constant 0 : index
    %get3A_480 = vector.load %arg2[%get3A_477, %get3A_478, %get3A_479] : memref<32x200x8xf32, #tpu.memory_space<vmem>>, vector<1x200x8xf32>
    %get3A_481 = vector.shape_cast %get3A_480 : vector<1x200x8xf32> to vector<200x8xf32>
    %add3A_482 = arith.addf %add3A_476, %get3A_481 : vector<200x8xf32>
    %get3A_483 = arith.constant 25 : index
    %get3A_484 = arith.constant 0 : index
    %get3A_485 = arith.constant 0 : index
    %get3A_486 = vector.load %arg2[%get3A_483, %get3A_484, %get3A_485] : memref<32x200x8xf32, #tpu.memory_space<vmem>>, vector<1x200x8xf32>
    %get3A_487 = vector.shape_cast %get3A_486 : vector<1x200x8xf32> to vector<200x8xf32>
    %add3A_488 = arith.addf %add3A_482, %get3A_487 : vector<200x8xf32>
    %get3A_489 = arith.constant 26 : index
    %get3A_490 = arith.constant 0 : index
    %get3A_491 = arith.constant 0 : index
    %get3A_492 = vector.load %arg2[%get3A_489, %get3A_490, %get3A_491] : memref<32x200x8xf32, #tpu.memory_space<vmem>>, vector<1x200x8xf32>
    %get3A_493 = vector.shape_cast %get3A_492 : vector<1x200x8xf32> to vector<200x8xf32>
    %add3A_494 = arith.addf %add3A_488, %get3A_493 : vector<200x8xf32>
    %get3A_495 = arith.constant 27 : index
    %get3A_496 = arith.constant 0 : index
    %get3A_497 = arith.constant 0 : index
    %get3A_498 = vector.load %arg2[%get3A_495, %get3A_496, %get3A_497] : memref<32x200x8xf32, #tpu.memory_space<vmem>>, vector<1x200x8xf32>
    %get3A_499 = vector.shape_cast %get3A_498 : vector<1x200x8xf32> to vector<200x8xf32>
    %add3A_500 = arith.addf %add3A_494, %get3A_499 : vector<200x8xf32>
    %get3A_501 = arith.constant 28 : index
    %get3A_502 = arith.constant 0 : index
    %get3A_503 = arith.constant 0 : index
    %get3A_504 = vector.load %arg2[%get3A_501, %get3A_502, %get3A_503] : memref<32x200x8xf32, #tpu.memory_space<vmem>>, vector<1x200x8xf32>
    %get3A_505 = vector.shape_cast %get3A_504 : vector<1x200x8xf32> to vector<200x8xf32>
    %add3A_506 = arith.addf %add3A_500, %get3A_505 : vector<200x8xf32>
    %get3A_507 = arith.constant 29 : index
    %get3A_508 = arith.constant 0 : index
    %get3A_509 = arith.constant 0 : index
    %get3A_510 = vector.load %arg2[%get3A_507, %get3A_508, %get3A_509] : memref<32x200x8xf32, #tpu.memory_space<vmem>>, vector<1x200x8xf32>
    %get3A_511 = vector.shape_cast %get3A_510 : vector<1x200x8xf32> to vector<200x8xf32>
    %add3A_512 = arith.addf %add3A_506, %get3A_511 : vector<200x8xf32>
    %get3A_513 = arith.constant 30 : index
    %get3A_514 = arith.constant 0 : index
    %get3A_515 = arith.constant 0 : index
    %get3A_516 = vector.load %arg2[%get3A_513, %get3A_514, %get3A_515] : memref<32x200x8xf32, #tpu.memory_space<vmem>>, vector<1x200x8xf32>
    %get3A_517 = vector.shape_cast %get3A_516 : vector<1x200x8xf32> to vector<200x8xf32>
    %add3A_518 = arith.addf %add3A_512, %get3A_517 : vector<200x8xf32>
    %get3A_519 = arith.constant 31 : index
    %get3A_520 = arith.constant 0 : index
    %get3A_521 = arith.constant 0 : index
    %get3A_522 = vector.load %arg2[%get3A_519, %get3A_520, %get3A_521] : memref<32x200x8xf32, #tpu.memory_space<vmem>>, vector<1x200x8xf32>
    %get3A_523 = vector.shape_cast %get3A_522 : vector<1x200x8xf32> to vector<200x8xf32>
    %add3A_524 = arith.addf %add3A_518, %get3A_523 : vector<200x8xf32>
    %get3A_525 = arith.constant 0 : index
    %get3A_526 = arith.constant 0 : index
    %get3A_527 = vector.load %arg6[%get3A_525, %get3A_526] : memref<8x128xf32, #tpu.memory_space<vmem>>, vector<8x128xf32>
    %dot_general3A_528 = arith.constant dense<0.000000e+00> : vector<200x128xf32>
    %dot_general3A_529 = tpu.matmul %add3A_524, %get3A_527, %dot_general3A_528 {dimension_numbers = #tpu.dot_dimension_numbers<[1], [0], [0], [1], [0, 0, 1, 1], [], []>, transpose_lhs_hint = false} : vector<200x8xf32>, vector<8x128xf32>, vector<200x128xf32> -> vector<200x128xf32>
    %get3A_530 = arith.constant 0 : index
    %get3A_531 = arith.constant 0 : index
    %get3A_532 = vector.load %arg3[%get3A_530, %get3A_531] : memref<200x128xf32, #tpu.memory_space<vmem>>, vector<200x128xf32>
    %get3A_533 = arith.constant 0 : index
    %get3A_534 = arith.constant 0 : index
    %get3A_535 = vector.load %arg4[%get3A_533, %get3A_534] : memref<128x128xf32, #tpu.memory_space<vmem>>, vector<128x128xf32>
    %dot_general3A_536 = arith.constant dense<0.000000e+00> : vector<200x128xf32>
    %dot_general3A_537 = tpu.matmul %get3A_532, %get3A_535, %dot_general3A_536 {dimension_numbers = #tpu.dot_dimension_numbers<[1], [0], [0], [1], [0, 0, 1, 1], [], []>, transpose_lhs_hint = false} : vector<200x128xf32>, vector<128x128xf32>, vector<200x128xf32> -> vector<200x128xf32>
    %add3A_538 = arith.constant 1.000000e-16 : f32
    %add3A_539 = vector.broadcast %add3A_538 : f32 to vector<200x128xf32>
    %add3A_540 = arith.addf %dot_general3A_529, %add3A_539 : vector<200x128xf32>
    %div3A = arith.divf %add3A_333, %add3A_540 : vector<200x128xf32>
    %add3A_541 = arith.addf %div3A, %dot_general3A_537 : vector<200x128xf32>
    %get3A_542 = arith.constant 0 : index
    %get3A_543 = arith.constant 0 : index
    %get3A_544 = vector.load %arg5[%get3A_542, %get3A_543] : memref<1x128xf32, #tpu.memory_space<vmem>>, vector<1x128xf32>
    %add3A_545 = vector.broadcast %get3A_544 : vector<1x128xf32> to vector<200x128xf32>
    %add3A_546 = arith.addf %add3A_541, %add3A_545 : vector<200x128xf32>
    %gt3A = arith.constant 0.000000e+00 : f32
    %gt3A_547 = vector.broadcast %gt3A : f32 to vector<200x128xf32>
    %gt3A_548 = arith.cmpf ogt, %add3A_546, %gt3A_547 : vector<200x128xf32>
    %min3A = arith.constant 0.000000e+00 : f32
    %min3A_549 = vector.broadcast %min3A : f32 to vector<200x128xf32>
    %min3A_550 = arith.minimumf %add3A_546, %min3A_549 : vector<200x128xf32>
    %exp3A = math.exp %min3A_550 : vector<200x128xf32>
    %sub3A = arith.constant 1.000000e+00 : f32
    %sub3A_551 = vector.broadcast %sub3A : f32 to vector<200x128xf32>
    %sub3A_552 = arith.subf %exp3A, %sub3A_551 : vector<200x128xf32>
    %select_n3A = arith.select %gt3A_548, %add3A_546, %sub3A_552 : vector<200x128xi1>, vector<200x128xf32>
    %swap3A = arith.constant 0 : index
    %swap3A_553 = arith.constant 0 : index
    %swap3A_554 = vector.load %arg8[%swap3A, %swap3A_553] : memref<200x128xf32, #tpu.memory_space<vmem>>, vector<200x128xf32>
    tpu.vector_store %arg8[%swap3A, %swap3A_553], %select_n3A {strides = array<i32>} : memref<200x128xf32, #tpu.memory_space<vmem>>, vector<200x128xf32>,
    return
  }
  func.func @transform_0(%arg0: i32) -> (i32, i32, i32, i32) {
    %c0_i32 = arith.constant 0 : i32
    %c0_i32_0 = arith.constant 0 : i32
    %c0_i32_1 = arith.constant 0 : i32
    %c0_i32_2 = arith.constant 0 : i32
    return %c0_i32, %c0_i32_0, %arg0, %c0_i32_1 : i32, i32, i32, i32
  }
  func.func @transform_1(%arg0: i32) -> (i32, i32, i32) {
    %c0_i32 = arith.constant 0 : i32
    %c0_i32_0 = arith.constant 0 : i32
    %c0_i32_1 = arith.constant 0 : i32
    return %c0_i32, %arg0, %c0_i32_0 : i32, i32, i32
  }
  func.func @transform_2(%arg0: i32) -> (i32, i32) {
    %c0_i32 = arith.constant 0 : i32
    %c0_i32_0 = arith.constant 0 : i32
    return %arg0, %c0_i32 : i32, i32
  }
  func.func @transform_3(%arg0: i32) -> (i32, i32) {
    %c0_i32 = arith.constant 0 : i32
    %c0_i32_0 = arith.constant 0 : i32
    %c0_i32_1 = arith.constant 0 : i32
    return %c0_i32, %c0_i32_0 : i32, i32
  }
  func.func @transform_4(%arg0: i32) -> (i32, i32) {
    %c0_i32 = arith.constant 0 : i32
    %c0_i32_0 = arith.constant 0 : i32
    %c0_i32_1 = arith.constant 0 : i32
    return %c0_i32, %c0_i32_0 : i32, i32
  }
  func.func @transform_5(%arg0: i32) -> (i32, i32) {
    %c0_i32 = arith.constant 0 : i32
    %c0_i32_0 = arith.constant 0 : i32
    %c0_i32_1 = arith.constant 0 : i32
    return %c0_i32, %c0_i32_0 : i32, i32
  }
  func.func @transform_6(%arg0: i32) -> (i32, i32, i32) {
    %c0_i32 = arith.constant 0 : i32
    %c0_i32_0 = arith.constant 0 : i32
    %c0_i32_1 = arith.constant 0 : i32
    %c0_i32_2 = arith.constant 0 : i32
    return %c0_i32, %c0_i32_0, %c0_i32_1 : i32, i32, i32
  }
  func.func @transform_7(%arg0: i32) -> (i32, i32) {
    %c0_i32 = arith.constant 0 : i32
    %c0_i32_0 = arith.constant 0 : i32
    return %arg0, %c0_i32 : i32, i32
  }
}

</mosaic_0001>

<sc_bundles>
// kernel: kernel.6.cloned.1.call-start
scs
__scs_entry_jumppad:
0x0: {  	(pc) =	sbr.rel $0x88, $3  }
0x1: {  	(tag) =	ssettag $0x0;
	lr =	simm.s32 $0x1  }
0x2: {  	[smem:$0x3F9A] =	sst lr;
	_ =	strace $0xD0000000  }
0x3: {  	_ = 	snop  }
0x4: {  	_ = 	snop  }
0x5: {  	_ = 	snop  }
0x6: {  	_ = 	snop  }
0x7: {  	_ = 	snop  }
__scs_overlays_trampoline_lowered:
0x8: {  	[smem:$0x3FA9] =	sst s0  }
0x9: {  	[smem:$0x3FAA] =	sst s1  }
0xa: {  	[smem:$0x3FAB] =	sst s2  }
0xb: {  	[smem:$0x3FAC] =	sst s3  }
0xc: {  	[smem:$0x3FAD] =	sst s4  }
0xd: {  	[smem:$0x3FAE] =	sst s5  }
0xe: {  	[smem:$0x3FAF] =	sst s6  }
0xf: {  	[smem:$0x3FB0] =	sst s7  }
0x10: {  	[smem:$0x3FB1] =	sst s8  }
0x11: {  	[smem:$0x3FB2] =	sst s9;
	s0 =	simm.s32 @!p0 $0x0  }
0x12: {  	s1 =	sld [smem:$0x3F98];
	s0 =	simm.s32 @p0 $0x1  }
0x13: {  	[smem:$0x3FB3] =	sst s0;
	s0 =	simm.s32 @!p1 $0x0  }
0x14: {  	s2 =	sld [smem:$0x3F97];
	s0 =	simm.s32 @p1 $0x1  }
0x15: {  	[smem:$0x3FB4] =	sst s0;
	s0 =	simm.s32 @!p2 $0x0  }
0x16: {  	s3 =	sld [smem:$0x3FDB];
	s0 =	simm.s32 @p2 $0x1  }
0x17: {  	s4 =	simm.s32 $0x1BF5;
	[smem:$0x3FB6] =	sst s0  }
0x18: {  	s0 =	sld [smem:$0x3F99];
	_ =	swait.ge [sflag:s4], $0x0  }
0x19: {  	s7 =	sld [smem:$0x3F9A]  }
0x1a: {  	s8 =	sadd.s32 $0xFFFFE003, lr  }
0x1b: {  	s9 =	sadd.s32 $0xFFFFFEF7, lr;
	s5 =	simm.s32 $0xFFFFFFFF;
	p2 =	slt.u32 s8, $0xFFFFF086  }
0x1c: {  	p1 =	slt.u32 s9, $0xF7A;
	s5 =	simm.s32 @!p2 $0x0  }
0x1d: {  	s5 =	simm.s32 @p1 $0x1;
	p0 =	seq.s32 s7, s2  }
0x1e: {  	s7 =	smul.u32 @!p0 $0xF7A, s2;
	p2 =	seq.s32 @!p0 s5, $0x0  }
0x1f: {  	s9 =	smul.u32 $0xF7A, s1;
	s8 =	simm.s32 @!p0 $0x1BF5;
	p2 =	por !p2, p0  }
0x20: {  	[sflag:s8] =	ssyncset.s32 @!p0 $0xFFFFF086;
	s6 =	sadd.s32 @!p0 s3, s7;
	s7 =	simm.s32 @!p0 $0x108  }
0x21: {  	s3 =	sadd.s32 s3, s9;
	s6 =	sadd.s32 @!p0 $0x88, s6;
	s7 =	simm.s32 @p2 $0x1082  }
0x22: {  	[simem:s7], [sflag:s8] =	dma.local @!p0 [hbm:s6], $0xF7A  }
0x23: {  	s9 =	sor.u32 $0xD0000000, s2;
	s6 =	simm.s32 $0x108;
	_ =	swait.ge @!p0 [sflag:s8], $0x0  }
0x24: {  	s3 =	sadd.s32 $0x88, s3;
	s6 =	simm.s32 @!p1 $0x1082;
	[sflag:s4] =	ssyncset.s32 $0xFFFFF086  }
0x25: {  	[simem:s6], [sflag:s4] =	dma.local [hbm:s3], $0xF7A  }
0x26: {  	[smem:$0x3F9A] =	sst s1;
	(tag) =	ssettag s2;
	_ =	strace s9  }
0x27: {  	s1 =	sld [smem:$0x3FAA]  }
0x28: {  	s2 =	sld [smem:$0x3FAB]  }
0x29: {  	s4 =	sld [smem:$0x3FAD]  }
0x2a: {  	p0 =	seq.s32 s5, $0x0;
	s5 =	sld [smem:$0x3FAE]  }
0x2b: {  	s6 =	sld [smem:$0x3FAF]  }
0x2c: {  	s7 =	sld [smem:$0x3FB0]  }
0x2d: {  	s3 =	simm.s32 $0x108;
	s8 =	sld [smem:$0x3FB1]  }
0x2e: {  	s3 =	simm.s32 @!p0 $0x1082;
	s9 =	sld [smem:$0x3FB2]  }
0x2f: {  	lr =	sadd.s32 s0, s3;
	s0 =	sld [smem:$0x3FA9]  }
0x30: {  	s3 =	sld [smem:$0x3FAC]  }
0x31: {  	[smem:$0x3FB5] =	sst s10  }
0x32: {  	s10 =	sld [smem:$0x3FB3];
	_ =	sdelay $0x3  }
0x33: {  	p0 =	seq.s32 s10, $0x1;
	s10 =	sld [smem:$0x3FB5];
	_ =	sdelay $0x3  }
0x34: {  	[smem:$0x3FB5] =	sst s10  }
0x35: {  	s10 =	sld [smem:$0x3FB4];
	_ =	sdelay $0x3  }
0x36: {  	p1 =	seq.s32 s10, $0x1;
	s10 =	sld [smem:$0x3FB5];
	_ =	sdelay $0x3  }
0x37: {  	[smem:$0x3FB5] =	sst s10  }
0x38: {  	s10 =	sld [smem:$0x3FB6]  }
0x39: {  	_ = 	snop;
	(pc) =	sbr.ind lr, $3  }
0x3a: {  	_ = 	snop  }
0x3b: {  	_ = 	snop  }
0x3c: {  	p2 =	seq.s32 s10, $0x1;
	s10 =	sld [smem:$0x3FB5]  }
0x3d: {  	_ =	shalt  }
0x3e: {  	_ =	shalt  }
0x3f: {  	_ =	shalt  }
0x40: {  	_ =	shalt  }
0x41: {  	_ =	shalt  }
0x42: {  	_ =	shalt  }
0x43: {  	_ =	shalt  }
0x44: {  	_ =	shalt  }
0x45: {  	_ =	shalt  }
0x46: {  	_ =	shalt  }
0x47: {  	_ =	shalt  }
0x48: {  	_ =	shalt  }
0x49: {  	_ =	shalt  }
0x4a: {  	_ =	shalt  }
0x4b: {  	_ =	shalt  }
0x4c: {  	_ =	shalt  }
0x4d: {  	_ =	shalt  }
0x4e: {  	_ =	shalt  }
0x4f: {  	_ =	shalt  }
0x50: {  	_ =	shalt  }
0x51: {  	_ =	shalt  }
0x52: {  	_ =	shalt  }
0x53: {  	_ =	shalt  }
0x54: {  	_ =	shalt  }
0x55: {  	_ =	shalt  }
0x56: {  	_ =	shalt  }
0x57: {  	_ =	shalt  }
0x58: {  	_ =	shalt  }
0x59: {  	_ =	shalt  }
0x5a: {  	_ =	shalt  }
0x5b: {  	_ =	shalt  }
0x5c: {  	_ =	shalt  }
0x5d: {  	_ =	shalt  }
0x5e: {  	_ =	shalt  }
0x5f: {  	_ =	shalt  }
0x60: {  	_ =	shalt  }
0x61: {  	_ =	shalt  }
0x62: {  	_ =	shalt  }
0x63: {  	_ =	shalt  }
0x64: {  	_ =	shalt  }
0x65: {  	_ =	shalt  }
0x66: {  	_ =	shalt  }
0x67: {  	_ =	shalt  }
0x68: {  	_ =	shalt  }
0x69: {  	_ =	shalt  }
0x6a: {  	_ =	shalt  }
0x6b: {  	_ =	shalt  }
0x6c: {  	_ =	shalt  }
0x6d: {  	_ =	shalt  }
0x6e: {  	_ =	shalt  }
0x6f: {  	_ =	shalt  }
0x70: {  	_ =	shalt  }
0x71: {  	_ =	shalt  }
0x72: {  	_ =	shalt  }
0x73: {  	_ =	shalt  }
0x74: {  	_ =	shalt  }
0x75: {  	_ =	shalt  }
0x76: {  	_ =	shalt  }
0x77: {  	_ =	shalt  }
0x78: {  	_ =	shalt  }
0x79: {  	_ =	shalt  }
0x7a: {  	_ =	shalt  }
0x7b: {  	_ =	shalt  }
0x7c: {  	_ =	shalt  }
0x7d: {  	_ =	shalt  }
0x7e: {  	_ =	shalt  }
0x7f: {  	_ =	shalt  }
0x80: {  	_ =	shalt  }
0x81: {  	_ =	shalt  }
0x82: {  	_ =	shalt  }
0x83: {  	_ =	shalt  }
0x84: {  	_ =	shalt  }
0x85: {  	_ =	shalt  }
0x86: {  	_ =	shalt  }
0x87: {  	_ =	shalt  }
.Lfunc_end0:
.L_simem_size_0:
called_computation_lowered:
.L_overlay_start_0:
0x88: {  	s2 =	sld [smem:$0x3FD9]  }
0x89: {  	s3 =	sld [smem:$0x3FFE];
	_ =	sdelay $0x1  }
0x8a: {  	s1 =	srdreg.scid  }
0x8b: {  	s0 =	sand.u32 $0x1, s1  }
0x8c: {  	s14 =	sshll.u32 s0, $0xA;
	s2 =	sadd.s32 s3, s2  }
0x8d: {  	s2 =	sadd.s32 s2, s14  }
0x8e: {  	[smem:$0x3FC1] =	sst s2  }
0x8f: {  	_ = 	snop  }
0x90: {  	s2 =	sld [smem:$0x3FD0];
	_ =	sdelay $0x2  }
0x91: {  	s15 =	simm.s32 $0xA;
	s4 =	simm.s32 $0x10  }
0x92: {  	[smem:s4], [sflag:s15] =	dma.local [hbm:s2], $0x1  }
0x93: {  	_ =	swait.eq [sflag:s15], $0x1  }
0x94: {  	[sflag:s15] =	ssyncset.done $0x0  }
0x95: {  	s16 =	sld [smem:$0x10];
	[sflag:s15] =	ssyncadd.s32 $0xFFFFFFFF  }
0x96: {  	s17 =	sld [smem:$0x11];
	(tm) =	ssettm $0x1  }
0x97: {  	s18 =	sld [smem:$0x3FFB];
	_ =	sdelay $0x3  }
0x98: {  	_ =	strace s18  }
0x99: {  	s4 =	sld [smem:$0x3FFC];
	_ =	sdelay $0x3  }
0x9a: {  	_ =	strace s4  }
0x9b: {  	s4 =	sld [smem:$0x3FFD];
	_ =	sdelay $0x3  }
0x9c: {  	_ =	strace s4  }
0x9d: {  	_ =	strace $0x8FFFFFFF  }
0x9e: {  	s19 =	sld [smem:$0x3FDB];
	_ =	sdelay $0x1  }
0x9f: {  	s5 =	simm.s32 $_scs_section_size  }
0xa0: {  	s6 =	simm.s32 $_size__tile_overlayer_lowered;
	s7 =	simm.s32 $_tile_overlayer_lowered  }
0xa1: {  	s22 =	simm.s32 $0x1BFF;
	s21 =	sshll.u32 s7, $0x1;
	s4 =	sadd.s32 s5, s19  }
0xa2: {  	s8 =	simm.s32 $0x0;
	s20 =	sshll.u32 s6, $0x1;
	s6 =	sadd.s32 s21, s4  }
0xa3: {  	[timem:s8], [sflag:s22] =	dma.local [hbm:s6], s20  }
0xa4: {  	_ =	swait.ge [sflag:s22], s20  }
0xa5: {  	s5 =	ssub.s32 $0x0, s20;
	[sflag:s22] =	ssyncset.done $0x0  }
0xa6: {  	[sflag:s22] =	ssyncadd.s32 s5;
	_ =	sdelay $0x1  }
0xa7: {  	s23 =	simm.s32 $0x1B8B  }
0xa8: {  	_ =	swait.ge [sflag:s23], $0x1  }
0xa9: {  	[sflag:s23] =	ssyncset.done $0x0  }
0xaa: {  	s25 =	simm.s32 $0x1B8E;
	s24 =	sld [smem:$0x3FFE];
	[sflag:s23] =	ssyncadd.s32 $0xFFFFFFFF  }
0xab: {  	s26 =	simm.s32 $execute0_lowered;
	[smem:$0x3FD2] =	sst s25  }
0xac: {  	s6 =	sshll.u32 s26, $0x1;
	_ =	strace $0x80000046;
	[dreg:$0x1] =	wrdreg $0xFFFFFFFF  }
0xad: {  	s28 =	simm.s32 $_size_execute0_lowered;
	s4 =	sadd.s32 s4, s6;
	[dreg:$0x0] =	wrdreg $0x0  }
0xae: {  	s6 =	sshll.u32 s28, $0x1;
	[dreg:$0x2] =	wrdreg s4  }
0xaf: {  	[dreg:$0x3] =	wrdreg s6  }
0xb0: {  	[dreg:$0x4] =	wrdreg $0xC0  }
0xb1: {  	_ =	task [dreg:s8], $0x5FFFF  }
0xb2: {  	[dreg:$0x1] =	wrdreg $0xFFFFFFFF  }
0xb3: {  	[dreg:$0x0] =	wrdreg $0x60  }
0xb4: {  	[dreg:$0x2] =	wrdreg s17  }
0xb5: {  	[dreg:$0x3] =	wrdreg s16  }
0xb6: {  	[dreg:$0x4] =	wrdreg s24  }
0xb7: {  	[dreg:$0x5] =	wrdreg $0x9  }
0xb8: {  	_ =	task.clear_ibuf [dreg:s8], $0x6FFFF;
	_ =	strace $0x90000046  }
0xb9: {  	s29 =	simm.s32 $0x9;
	_ =	strace $0x80000048  }
0xba: {  	_ =	swait.ge [sflag:s29], $0x1  }
0xbb: {  	[sflag:s29] =	ssyncadd.s32 $0xFFFFFFFF  }
0xbc: {  	_ =	strace $0x90000048  }
0xbd: {  	_ =	sfence  }
0xbe: {  	s30 =	sld [smem:$0x0];
	_ =	sdelay $0x2  }
0xbf: {  	s31 =	sshll.u32 s1, $0xD;
	s1 =	sshrl.u32 s1, $0x2  }
0xc0: {  	s3 =	sand.u32 $0x4000, s31;
	s1 =	sadd.s32 s1, s30  }
0xc1: {  	s0 =	sor.u32 s3, s0;
	s1 =	sshll.u32 s1, $0x11  }
0xc2: {  	s0 =	sor.u32 s1, s0  }
0xc3: {  	s0 =	sadd.s32 $0x8F2B, s0  }
0xc4: {  	[sflag:s0] =	ssyncadd.remote.s32 $0x1  }
0xc5: {  	_ =	sfence.sel $0xFFFF  }
0xc6: {  	[dreg:$0x0] =	wrdreg $0xFFFFFFFF;
	(pc) =	sbr.abs _section_cstart, $3  }
0xc7: {  	[dreg:$0x1] =	wrdreg $0xFFFFFFFF  }
0xc8: {  	_ =	task.clear_ibuf [dreg:s8], $0x2FFFF;
	_ =	strace $0x9FFFFFFF  }
0xc9: {  	(tm) =	ssettm $0x7FFFFFFF  }
tec
execute0_lowered:
.L_overlay_start_1:
0x0: {  	(tag) =	ssettag $0x1  }
0x1: {  	s1 =	rddreg [dreg:$0x0]  }
0x2: {  	s3 =	rddreg [dreg:$0x1]  }
0x3: {  	s0 =	srdreg.scid;
	s6 =	rddreg [dreg:$0x2]  }
0x4: {  	s4 =	simm.s32 $0x0;
	s11 =	simm.s32 $0x1;
	s12 =	simm.s32 $0x40  }
0x5: {  	s13 =	simm.s32 $0x100;
	s14 =	simm.s32 $0x2100;
	s5 =	sand.u32 $0x1, s0  }
0x6: {  	s15 =	simm.s32 $0x6100;
	s0 =	stileid.u32;
	s2 =	sshll.u32 s5, $0x4  }
0x7: {  	s16 =	simm.s32 $0x4100;
	s17 =	simm.s32 $0x2;
	s7 =	sor.u32 s0, s2  }
0x8: {  	s18 =	simm.s32 $0x400;
	s19 =	simm.s32 $0x0;
	s2 =	sshrl.u32 s7, $0x3  }
0x9: {  	[smem:$0x7FF] =	sst s4;
	s9 =	sshll.u32 s0, $0x7;
	s8 =	smul.u32 $0x9E000, s2  }
0xa: {  	s31 =	ssub.s32 $0x2, s5;
	s5 =	sadd.s32 $0x2400, s6;
	s9 =	sand.u32 $0x380, s9  }
0xb: {  	s10 =	sshrl.u32 s31, $0x1;
	s7 =	smul.u32 $0x2800, s7;
	s8 =	sor.u32 s9, s8  }
0xc: {  	s2 =	rddreg [dreg:$0x3];
	_ =	strace $0x80000047;
	s8 =	sshrl.u32 s8, $0x3  }
0xd: {  	v0 =	vlaneseq.u32;
	s9 =	ssub.s32 s31, s10;
	s10 =	simm.s32 $0x80;
	s8 =	sadd.s32 s8, s6  }
0xe: {  	v1 =	vimm.f32 $0.0e+00;
	v2 =	vor.u32 $0x8, v0;
	s9 =	smax.u32 s9, $0x1;
	s6 =	sadd.s32 $0xA0400, s6;
	s8 =	sadd.s32 $0x51400, s8  }
.LBB2_1:
0xf: {  	s20 =	simm.s32 $0x40;
	s21 =	simm.s32 $0x0  }
.LBB2_2:
0x10: {  	p0 =	sne.s32 s20, $0x4EFC0;
	[tilespmem:s21+$0x6100] =	vst v1;
	s21 =	smov.u32 s20;
	s20 =	sadd.s32 $0x40, s20  }
.Ltmp0:
0x11: {  	(pc) =	sbr.rel @p0 .LBB2_2-.Ltmp0, $2  }
0x12: {  	_ =	sdelay $0x2  }
0x13: {  	s21 =	sshra.s32 s21, $0x2  }
0x14: {  	[tilespmem:s21+$0x6100] =	vst v1;
	s20 =	simm.s32 $0x0;
	s21 =	simm.s32 $0x0  }
.LBB2_4:
0x15: {  	s22 =	sshll.u32 s21, $0x6  }
0x16: {  	s22 =	sadd.s32 s7, s22  }
0x17: {  	s23 =	sshrl.u32 s22, $0x3  }
0x18: {  	s24 =	sadd.s32 s1, s23  }
0x19: {  	[tilespmem:s20], [sflag:$0x1] =	stream.linear.gather [hbm4b:s24+s20], $0x40, $0x38;
	[tilespmem:$0x19D00] =	vst v63  }
0x1a: {  	s23 =	sadd.s32 s3, s23  }
0x1b: {  	[tilespmem:s10], [sflag:$0x1] =	stream.linear.gather [hbm4b:s23+s20], $0x40, $0x38;
	[tilespmem:$0x19D00] =	vst v63  }
0x1c: {  	_ =	swait.ge [sflag:s11], $0x40  }
0x1d: {  	[sflag:s11] =	ssyncset.done $0x0  }
0x1e: {  	[sflag:s11] =	ssyncadd.s32 $0xFFFFFFC0  }
0x1f: {  	_ =	swait.ge [sflag:s11], $0x40  }
0x20: {  	[sflag:s11] =	ssyncset.done $0x0  }
0x21: {  	[sflag:s11] =	ssyncadd.s32 $0xFFFFFFC0  }
0x22: {  	[tilespmem:s13], [sflag:$0x1] =	stream.indirect.gather [hbm4b:s5+s12], $0x80, s20, s12, $0xb8;
	[tilespmem:$0x19D00] =	vst v63  }
0x23: {  	_ = 	snop  }
0x24: {  	v3 =	vmov s20;
	[tilespmem:s14], [sflag:$0x1] =	stream.indirect.gather [hbm4b:s5+s12], $0x80, s10, s12, $0xb8;
	[tilespmem:$0x19D00] =	vst v63  }
0x25: {  	v4 =	vshll.u32 v3, $0x7;
	_ =	swait.ge [sflag:s11], $0x2000  }
0x26: {  	v4 =	vor.u32 v2, v4;
	[sflag:s11] =	ssyncset.done $0x0  }
0x27: {  	[sflag:s11] =	ssyncadd.s32 $0xFFFFE000  }
0x28: {  	_ =	swait.ge [sflag:s11], $0x2000  }
0x29: {  	[sflag:s11] =	ssyncset.done $0x0  }
0x2a: {  	[sflag:s11] =	ssyncadd.s32 $0xFFFFE000  }
0x2b: {  	s24 =	simm.s32 $0x180;
	v4 =	vld.idx.msk [tilespmem:v4+s14+$0x0], $0xffff  }
0x2c: {  	v5 =	vld [tilespmem:s24+$0xFFFFFF80];
	_ =	sdelay $0x4  }
0x2d: {  	v4 =	vadd.f32 v5, v4;
	_ =	sdelay $0x1  }
0x2e: {  	v5 =	vmul.f32 $2.000000030e-01, v4;
	_ =	sdelay $0x1  }
0x2f: {  	v4 =	vmax.f32 v4, v5  }
0x30: {  	v4 =	vmul.f32 $1.442695020e+00, v4;
	_ =	sdelay $0x1  }
0x31: {  	(erf) = vpow2.f32 v4;
	_ =	sdelay $0x8  }
0x32: {  	s23 =	simm.s32 $0x4180;
	v4 =	vpop (erf)  }
0x33: {  	[tilespmem:s23+$0xFFFFFF80] =	vst v4  }
0x34: {  	v3 =	vld.idx.msk [tilespmem:v3+s10+$0x0], $0xffff;
	_ =	sdelay $0x3  }
0x35: {  	s25 =	simm.s32 $0x1  }
0x36: {  	v5 =	vmov s25;
	v3 =	vshll.u32 v3, $0x3  }
0x37: {  	v6 =	vshll.u32 v5, $0x7;
	v3 =	vadd.s32 v0, v3  }
0x38: {  	v6 =	vor.u32 v2, v6;
	_ =	sdelay $0x3  }
0x39: {  	[tilespmem:v3+s15+$0x0] =	vst.idx.add.f32.msk $0xff, v4  }
0x3a: {  	v3 =	vld.idx.msk [tilespmem:v6+s14+$0x0], $0xffff  }
0x3b: {  	v4 =	vld [tilespmem:s24+$0x0];
	_ =	sdelay $0x4  }
0x3c: {  	v3 =	vadd.f32 v4, v3;
	_ =	sdelay $0x1  }
0x3d: {  	v4 =	vmul.f32 $2.000000030e-01, v3;
	_ =	sdelay $0x1  }
0x3e: {  	v3 =	vmax.f32 v3, v4  }
0x3f: {  	v3 =	vmul.f32 $1.442695020e+00, v3;
	_ =	sdelay $0x1  }
0x40: {  	(erf) = vpow2.f32 v3;
	_ =	sdelay $0x8  }
0x41: {  	v4 =	vpop (erf)  }
0x42: {  	[tilespmem:s23+$0x0] =	vst v4  }
0x43: {  	v5 =	vld.idx.msk [tilespmem:v5+s10+$0x0], $0xffff;
	_ =	sdelay $0x3  }
0x44: {  	s25 =	simm.s32 $0x2  }
0x45: {  	v3 =	vmov s25;
	v5 =	vshll.u32 v5, $0x3  }
0x46: {  	v7 =	vshll.u32 v3, $0x7;
	v6 =	vadd.s32 v0, v5  }
0x47: {  	s28 =	simm.s32 $0x4;
	v5 =	vor.u32 v2, v7  }
.LBB2_5:
0x48: {  	_ =	sdelay $0x1  }
0x49: {  	s23 =	sadd.s32 $0x100, s23  }
0x4a: {  	[tilespmem:v6+s15+$0x0] =	vst.idx.add.f32.msk $0xff, v4;
	s24 =	sadd.s32 $0x100, s24;
	s29 =	smov.u32 s28;
	s26 =	sadd.s32 $0x2, s28  }
0x4b: {  	p0 =	sne.s32 s28, $0x3E;
	v4 =	vld.idx.msk [tilespmem:v5+s14+$0x0], $0xffff  }
0x4c: {  	v5 =	vld [tilespmem:s24+$0xFFFFFF80];
	_ =	sdelay $0x4  }
0x4d: {  	v4 =	vadd.f32 v5, v4;
	_ =	sdelay $0x1  }
0x4e: {  	v5 =	vmul.f32 $2.000000030e-01, v4;
	_ =	sdelay $0x1  }
0x4f: {  	v4 =	vmax.f32 v4, v5  }
0x50: {  	v4 =	vmul.f32 $1.442695020e+00, v4;
	_ =	sdelay $0x1  }
0x51: {  	(erf) = vpow2.f32 v4;
	_ =	sdelay $0x8  }
0x52: {  	v4 =	vpop (erf)  }
0x53: {  	[tilespmem:s23+$0xFFFFFF80] =	vst v4  }
0x54: {  	v3 =	vld.idx.msk [tilespmem:v3+s10+$0x0], $0xffff;
	_ =	sdelay $0x4  }
0x55: {  	s28 =	sadd.s32 $0x1, s25;
	s25 =	smov.u32 s29  }
0x56: {  	v5 =	vmov s28;
	v3 =	vshll.u32 v3, $0x3  }
0x57: {  	v6 =	vshll.u32 v5, $0x7;
	v3 =	vadd.s32 v0, v3  }
0x58: {  	v6 =	vor.u32 v2, v6;
	_ =	sdelay $0x3  }
0x59: {  	[tilespmem:v3+s15+$0x0] =	vst.idx.add.f32.msk $0xff, v4  }
0x5a: {  	v3 =	vld.idx.msk [tilespmem:v6+s14+$0x0], $0xffff  }
0x5b: {  	v4 =	vld [tilespmem:s24+$0x0];
	_ =	sdelay $0x4  }
0x5c: {  	v3 =	vadd.f32 v4, v3;
	_ =	sdelay $0x1  }
0x5d: {  	v4 =	vmul.f32 $2.000000030e-01, v3;
	_ =	sdelay $0x1  }
0x5e: {  	v3 =	vmax.f32 v3, v4  }
0x5f: {  	v3 =	vmul.f32 $1.442695020e+00, v3;
	_ =	sdelay $0x1  }
0x60: {  	(erf) = vpow2.f32 v3;
	_ =	sdelay $0x8  }
0x61: {  	v4 =	vpop (erf)  }
0x62: {  	[tilespmem:s23+$0x0] =	vst v4  }
0x63: {  	v5 =	vld.idx.msk [tilespmem:v5+s10+$0x0], $0xffff;
	_ =	sdelay $0x3  }
.Ltmp1:
0x64: {  	(pc) =	sbr.rel @p0 .LBB2_5-.Ltmp1, $4  }
0x65: {  	_ = 	snop  }
0x66: {  	v3 =	vmov s25;
	v5 =	vshll.u32 v5, $0x3  }
0x67: {  	v7 =	vshll.u32 v3, $0x7;
	v6 =	vadd.s32 v0, v5  }
0x68: {  	s28 =	smov.u32 s26;
	v5 =	vor.u32 v2, v7  }
0x69: {  	_ =	sdelay $0x3  }
0x6a: {  	[tilespmem:v6+s15+$0x0] =	vst.idx.add.f32.msk $0xff, v4  }
0x6b: {  	s24 =	sadd.s32 $0x100, s24;
	v4 =	vld.idx.msk [tilespmem:v5+s14+$0x0], $0xffff  }
0x6c: {  	v60 =	vld [tilespmem:s24+$0xFFFFFF80];
	_ =	sdelay $0x4  }
0x6d: {  	v4 =	vadd.f32 v60, v4;
	_ =	sdelay $0x1  }
0x6e: {  	v5 =	vmul.f32 $2.000000030e-01, v4;
	_ =	sdelay $0x1  }
0x6f: {  	v4 =	vmax.f32 v4, v5  }
0x70: {  	v4 =	vmul.f32 $1.442695020e+00, v4;
	_ =	sdelay $0x1  }
0x71: {  	(erf) = vpow2.f32 v4;
	_ =	sdelay $0x8  }
0x72: {  	s23 =	sadd.s32 $0x100, s23;
	v4 =	vpop (erf)  }
0x73: {  	[tilespmem:s23+$0xFFFFFF80] =	vst v4  }
0x74: {  	v3 =	vld.idx.msk [tilespmem:v3+s10+$0x0], $0xffff;
	_ =	sdelay $0x3  }
0x75: {  	s25 =	sadd.s32 $0x1, s25  }
0x76: {  	v61 =	vmov s25;
	v3 =	vshll.u32 v3, $0x3  }
0x77: {  	v62 =	vshll.u32 v61, $0x7;
	v3 =	vadd.s32 v0, v3  }
0x78: {  	v6 =	vor.u32 v2, v62;
	_ =	sdelay $0x3  }
0x79: {  	[tilespmem:v3+s15+$0x0] =	vst.idx.add.f32.msk $0xff, v4  }
0x7a: {  	v3 =	vld.idx.msk [tilespmem:v6+s14+$0x0], $0xffff  }
0x7b: {  	v4 =	vld [tilespmem:s24+$0x0];
	_ =	sdelay $0x4  }
0x7c: {  	v3 =	vadd.f32 v4, v3;
	_ =	sdelay $0x1  }
0x7d: {  	v4 =	vmul.f32 $2.000000030e-01, v3;
	_ =	sdelay $0x1  }
0x7e: {  	v3 =	vmax.f32 v3, v4  }
0x7f: {  	v3 =	vmul.f32 $1.442695020e+00, v3;
	_ =	sdelay $0x1  }
0x80: {  	(erf) = vpow2.f32 v3;
	_ =	sdelay $0x8  }
0x81: {  	v3 =	vpop (erf)  }
0x82: {  	[tilespmem:s23+$0x0] =	vst v3  }
0x83: {  	v63 =	vld.idx.msk [tilespmem:v61+s10+$0x0], $0xffff;
	_ =	sdelay $0x4  }
0x84: {  	v4 =	vshll.u32 v63, $0x3  }
0x85: {  	v4 =	vadd.s32 v0, v4;
	_ =	sdelay $0x2  }
0x86: {  	s21 =	sadd.s32 $0x1, s21  }
0x87: {  	s22 =	sshll.u32 s22, $0x4;
	p0 =	sne.s32 s21, $0xA0  }
.Ltmp2:
0x88: {  	s22 =	sadd.s32 s6, s22;
	[tilespmem:v4+s15+$0x0] =	vst.idx.add.f32.msk $0xff, v3;
	(pc) =	sbr.rel @p0 .LBB2_4-.Ltmp2, $4  }
0x89: {  	[hbm4b:s22+s4] =	stream.linear.scatter [tilespmem:s16], [sflag:$0x2], $0x2000, $0x38;
	[tilespmem:$0x19D00] =	vst v63  }
0x8a: {  	_ =	swait.ge [sflag:s17], $0x2000  }
0x8b: {  	[sflag:s17] =	ssyncset.done $0x0  }
0x8c: {  	[sflag:s17] =	ssyncadd.s32 $0xFFFFE000  }
0x8d: {  	s19 =	sadd.s32 $0x1, s19  }
0x8e: {  	p0 =	sne.s32 s19, s9  }
.Ltmp3:
0x8f: {  	_ = 	snop;
	(pc) =	sbr.rel @p0 .LBB2_1-.Ltmp3, $4  }
0x90: {  	[hbm4b:s8+s10] =	stream.strided.scatter [tilespmem:s15], [sflag:$0x2], $0x13C00, s18, s10, $0x38;
	[tilespmem:$0x19D00] =	vst v63  }
0x91: {  	_ =	swait.ge [sflag:s17], $0x13C00  }
0x92: {  	[sflag:s17] =	ssyncset.done $0x0  }
0x93: {  	[sflag:s17] =	ssyncadd.s32 $0xFFFEC400  }
0x94: {  	_ =	sfence.sel $0x180000  }
0x95: {  	[bflag:$0x0] =	sbarrier.arrive $0xFFFF  }
0x96: {  	p0 =	sne.s32 s0, $0x0;
	_ =	strace $0x90000047  }
0x97: {  	s0 =	sadd.s32 @!p0 $0x100000, s2;
	[bflag:$0x2] =	sbarrier.arrive $0xFFFF  }
0x98: {  	[sflag:s0] =	ssyncadd.tile.s32 @!p0 $0x1;
	_ =	shalt  }
.Lfunc_end2:
_tile_overlayer_lowered:
.L_overlay_start_2:
0x99: {  	(tag) =	ssettag $0x2  }
0x9a: {  	s0 =	rddreg [dreg:$0x0];
	s2 =	stileid.u32  }
0x9b: {  	s1 =	rddreg [dreg:$0x1];
	p0 =	sne.s32 s2, $0x0  }
0x9c: {  	s3 =	rddreg [dreg:$0x2];
	[bflag:$0x3] =	sbarrier.arrive $0xFFFF;
	s2 =	simm.s32 @!p0 $0x1C02  }
0x9d: {  	[timem:s3], [sflag:s2] =	dma.local @!p0 [hbm:s0], s1  }
0x9e: {  	s0 =	simm.s32 @!p0 $0x2  }
0x9f: {  	_ =	swait.ge @!p0 [sflag:s0], s1  }
0xa0: {  	s1 =	ssub.s32 @!p0 $0x0, s1;
	[sflag:s0] =	ssyncset.done @!p0 $0x0  }
0xa1: {  	[sflag:s0] =	ssyncadd.s32 @!p0 s1  }
0xa2: {  	[bflag:$0x3] =	sbarrier.arrive $0xFFFF  }
0xa3: {  	_ =	shalt  }

// kernel: kernel.9.cloned.1.call-start
scs
__scs_entry_jumppad:
0x0: {  	(pc) =	sbr.rel $0x88, $3  }
0x1: {  	(tag) =	ssettag $0x0;
	lr =	simm.s32 $0x1  }
0x2: {  	[smem:$0x3F9A] =	sst lr;
	_ =	strace $0xD0000000  }
0x3: {  	_ = 	snop  }
0x4: {  	_ = 	snop  }
0x5: {  	_ = 	snop  }
0x6: {  	_ = 	snop  }
0x7: {  	_ = 	snop  }
__scs_overlays_trampoline_lowered:
0x8: {  	[smem:$0x3FA9] =	sst s0  }
0x9: {  	[smem:$0x3FAA] =	sst s1  }
0xa: {  	[smem:$0x3FAB] =	sst s2  }
0xb: {  	[smem:$0x3FAC] =	sst s3  }
0xc: {  	[smem:$0x3FAD] =	sst s4  }
0xd: {  	[smem:$0x3FAE] =	sst s5  }
0xe: {  	[smem:$0x3FAF] =	sst s6  }
0xf: {  	[smem:$0x3FB0] =	sst s7  }
0x10: {  	[smem:$0x3FB1] =	sst s8  }
0x11: {  	[smem:$0x3FB2] =	sst s9;
	s0 =	simm.s32 @!p0 $0x0  }
0x12: {  	s1 =	sld [smem:$0x3F98];
	s0 =	simm.s32 @p0 $0x1  }
0x13: {  	[smem:$0x3FB3] =	sst s0;
	s0 =	simm.s32 @!p1 $0x0  }
0x14: {  	s2 =	sld [smem:$0x3F97];
	s0 =	simm.s32 @p1 $0x1  }
0x15: {  	[smem:$0x3FB4] =	sst s0;
	s0 =	simm.s32 @!p2 $0x0  }
0x16: {  	s3 =	sld [smem:$0x3FDB];
	s0 =	simm.s32 @p2 $0x1  }
0x17: {  	s4 =	simm.s32 $0x1BF5;
	[smem:$0x3FB6] =	sst s0  }
0x18: {  	s0 =	sld [smem:$0x3F99];
	_ =	swait.ge [sflag:s4], $0x0  }
0x19: {  	s7 =	sld [smem:$0x3F9A]  }
0x1a: {  	s8 =	sadd.s32 $0xFFFFE003, lr  }
0x1b: {  	s9 =	sadd.s32 $0xFFFFFEF7, lr;
	s5 =	simm.s32 $0xFFFFFFFF;
	p2 =	slt.u32 s8, $0xFFFFF086  }
0x1c: {  	p1 =	slt.u32 s9, $0xF7A;
	s5 =	simm.s32 @!p2 $0x0  }
0x1d: {  	s5 =	simm.s32 @p1 $0x1;
	p0 =	seq.s32 s7, s2  }
0x1e: {  	s7 =	smul.u32 @!p0 $0xF7A, s2;
	p2 =	seq.s32 @!p0 s5, $0x0  }
0x1f: {  	s9 =	smul.u32 $0xF7A, s1;
	s8 =	simm.s32 @!p0 $0x1BF5;
	p2 =	por !p2, p0  }
0x20: {  	[sflag:s8] =	ssyncset.s32 @!p0 $0xFFFFF086;
	s6 =	sadd.s32 @!p0 s3, s7;
	s7 =	simm.s32 @!p0 $0x108  }
0x21: {  	s3 =	sadd.s32 s3, s9;
	s6 =	sadd.s32 @!p0 $0x88, s6;
	s7 =	simm.s32 @p2 $0x1082  }
0x22: {  	[simem:s7], [sflag:s8] =	dma.local @!p0 [hbm:s6], $0xF7A  }
0x23: {  	s9 =	sor.u32 $0xD0000000, s2;
	s6 =	simm.s32 $0x108;
	_ =	swait.ge @!p0 [sflag:s8], $0x0  }
0x24: {  	s3 =	sadd.s32 $0x88, s3;
	s6 =	simm.s32 @!p1 $0x1082;
	[sflag:s4] =	ssyncset.s32 $0xFFFFF086  }
0x25: {  	[simem:s6], [sflag:s4] =	dma.local [hbm:s3], $0xF7A  }
0x26: {  	[smem:$0x3F9A] =	sst s1;
	(tag) =	ssettag s2;
	_ =	strace s9  }
0x27: {  	s1 =	sld [smem:$0x3FAA]  }
0x28: {  	s2 =	sld [smem:$0x3FAB]  }
0x29: {  	s4 =	sld [smem:$0x3FAD]  }
0x2a: {  	p0 =	seq.s32 s5, $0x0;
	s5 =	sld [smem:$0x3FAE]  }
0x2b: {  	s6 =	sld [smem:$0x3FAF]  }
0x2c: {  	s7 =	sld [smem:$0x3FB0]  }
0x2d: {  	s3 =	simm.s32 $0x108;
	s8 =	sld [smem:$0x3FB1]  }
0x2e: {  	s3 =	simm.s32 @!p0 $0x1082;
	s9 =	sld [smem:$0x3FB2]  }
0x2f: {  	lr =	sadd.s32 s0, s3;
	s0 =	sld [smem:$0x3FA9]  }
0x30: {  	s3 =	sld [smem:$0x3FAC]  }
0x31: {  	[smem:$0x3FB5] =	sst s10  }
0x32: {  	s10 =	sld [smem:$0x3FB3];
	_ =	sdelay $0x3  }
0x33: {  	p0 =	seq.s32 s10, $0x1;
	s10 =	sld [smem:$0x3FB5];
	_ =	sdelay $0x3  }
0x34: {  	[smem:$0x3FB5] =	sst s10  }
0x35: {  	s10 =	sld [smem:$0x3FB4];
	_ =	sdelay $0x3  }
0x36: {  	p1 =	seq.s32 s10, $0x1;
	s10 =	sld [smem:$0x3FB5];
	_ =	sdelay $0x3  }
0x37: {  	[smem:$0x3FB5] =	sst s10  }
0x38: {  	s10 =	sld [smem:$0x3FB6]  }
0x39: {  	_ = 	snop;
	(pc) =	sbr.ind lr, $3  }
0x3a: {  	_ = 	snop  }
0x3b: {  	_ = 	snop  }
0x3c: {  	p2 =	seq.s32 s10, $0x1;
	s10 =	sld [smem:$0x3FB5]  }
0x3d: {  	_ =	shalt  }
0x3e: {  	_ =	shalt  }
0x3f: {  	_ =	shalt  }
0x40: {  	_ =	shalt  }
0x41: {  	_ =	shalt  }
0x42: {  	_ =	shalt  }
0x43: {  	_ =	shalt  }
0x44: {  	_ =	shalt  }
0x45: {  	_ =	shalt  }
0x46: {  	_ =	shalt  }
0x47: {  	_ =	shalt  }
0x48: {  	_ =	shalt  }
0x49: {  	_ =	shalt  }
0x4a: {  	_ =	shalt  }
0x4b: {  	_ =	shalt  }
0x4c: {  	_ =	shalt  }
0x4d: {  	_ =	shalt  }
0x4e: {  	_ =	shalt  }
0x4f: {  	_ =	shalt  }
0x50: {  	_ =	shalt  }
0x51: {  	_ =	shalt  }
0x52: {  	_ =	shalt  }
0x53: {  	_ =	shalt  }
0x54: {  	_ =	shalt  }
0x55: {  	_ =	shalt  }
0x56: {  	_ =	shalt  }
0x57: {  	_ =	shalt  }
0x58: {  	_ =	shalt  }
0x59: {  	_ =	shalt  }
0x5a: {  	_ =	shalt  }
0x5b: {  	_ =	shalt  }
0x5c: {  	_ =	shalt  }
0x5d: {  	_ =	shalt  }
0x5e: {  	_ =	shalt  }
0x5f: {  	_ =	shalt  }
0x60: {  	_ =	shalt  }
0x61: {  	_ =	shalt  }
0x62: {  	_ =	shalt  }
0x63: {  	_ =	shalt  }
0x64: {  	_ =	shalt  }
0x65: {  	_ =	shalt  }
0x66: {  	_ =	shalt  }
0x67: {  	_ =	shalt  }
0x68: {  	_ =	shalt  }
0x69: {  	_ =	shalt  }
0x6a: {  	_ =	shalt  }
0x6b: {  	_ =	shalt  }
0x6c: {  	_ =	shalt  }
0x6d: {  	_ =	shalt  }
0x6e: {  	_ =	shalt  }
0x6f: {  	_ =	shalt  }
0x70: {  	_ =	shalt  }
0x71: {  	_ =	shalt  }
0x72: {  	_ =	shalt  }
0x73: {  	_ =	shalt  }
0x74: {  	_ =	shalt  }
0x75: {  	_ =	shalt  }
0x76: {  	_ =	shalt  }
0x77: {  	_ =	shalt  }
0x78: {  	_ =	shalt  }
0x79: {  	_ =	shalt  }
0x7a: {  	_ =	shalt  }
0x7b: {  	_ =	shalt  }
0x7c: {  	_ =	shalt  }
0x7d: {  	_ =	shalt  }
0x7e: {  	_ =	shalt  }
0x7f: {  	_ =	shalt  }
0x80: {  	_ =	shalt  }
0x81: {  	_ =	shalt  }
0x82: {  	_ =	shalt  }
0x83: {  	_ =	shalt  }
0x84: {  	_ =	shalt  }
0x85: {  	_ =	shalt  }
0x86: {  	_ =	shalt  }
0x87: {  	_ =	shalt  }
.Lfunc_end0:
.L_simem_size_0:
called_computation.1_lowered:
.L_overlay_start_0:
0x88: {  	s2 =	sld [smem:$0x3FD9]  }
0x89: {  	s3 =	sld [smem:$0x3FFE];
	_ =	sdelay $0x1  }
0x8a: {  	s1 =	srdreg.scid  }
0x8b: {  	s0 =	sand.u32 $0x1, s1  }
0x8c: {  	s14 =	sshll.u32 s0, $0xA;
	s2 =	sadd.s32 s3, s2  }
0x8d: {  	s2 =	sadd.s32 s2, s14  }
0x8e: {  	[smem:$0x3FC1] =	sst s2  }
0x8f: {  	_ = 	snop  }
0x90: {  	s2 =	sld [smem:$0x3FD0];
	_ =	sdelay $0x2  }
0x91: {  	s15 =	simm.s32 $0xA;
	s4 =	simm.s32 $0x10  }
0x92: {  	[smem:s4], [sflag:s15] =	dma.local [hbm:s2], $0x1  }
0x93: {  	_ =	swait.eq [sflag:s15], $0x1  }
0x94: {  	[sflag:s15] =	ssyncset.done $0x0  }
0x95: {  	s16 =	sld [smem:$0x10];
	[sflag:s15] =	ssyncadd.s32 $0xFFFFFFFF  }
0x96: {  	s17 =	sld [smem:$0x11];
	(tm) =	ssettm $0x1  }
0x97: {  	s18 =	sld [smem:$0x3FFB];
	_ =	sdelay $0x3  }
0x98: {  	_ =	strace s18  }
0x99: {  	s4 =	sld [smem:$0x3FFC];
	_ =	sdelay $0x3  }
0x9a: {  	_ =	strace s4  }
0x9b: {  	s4 =	sld [smem:$0x3FFD];
	_ =	sdelay $0x3  }
0x9c: {  	_ =	strace s4  }
0x9d: {  	_ =	strace $0x8FFFFFFF  }
0x9e: {  	s19 =	sld [smem:$0x3FDB];
	_ =	sdelay $0x1  }
0x9f: {  	s5 =	simm.s32 $_scs_section_size  }
0xa0: {  	s6 =	simm.s32 $_size__tile_overlayer_lowered;
	s7 =	simm.s32 $_tile_overlayer_lowered  }
0xa1: {  	s22 =	simm.s32 $0x1BFF;
	s21 =	sshll.u32 s7, $0x1;
	s4 =	sadd.s32 s5, s19  }
0xa2: {  	s8 =	simm.s32 $0x0;
	s20 =	sshll.u32 s6, $0x1;
	s6 =	sadd.s32 s21, s4  }
0xa3: {  	[timem:s8], [sflag:s22] =	dma.local [hbm:s6], s20  }
0xa4: {  	_ =	swait.ge [sflag:s22], s20  }
0xa5: {  	s5 =	ssub.s32 $0x0, s20;
	[sflag:s22] =	ssyncset.done $0x0  }
0xa6: {  	[sflag:s22] =	ssyncadd.s32 s5;
	_ =	sdelay $0x1  }
0xa7: {  	s23 =	simm.s32 $0x1B8B  }
0xa8: {  	_ =	swait.ge [sflag:s23], $0x1  }
0xa9: {  	[sflag:s23] =	ssyncset.done $0x0  }
0xaa: {  	s25 =	simm.s32 $0x1B8E;
	s24 =	sld [smem:$0x3FFE];
	[sflag:s23] =	ssyncadd.s32 $0xFFFFFFFF  }
0xab: {  	s26 =	simm.s32 $execute0_lowered;
	[smem:$0x3FD2] =	sst s25  }
0xac: {  	s6 =	sshll.u32 s26, $0x1;
	_ =	strace $0x80000049;
	[dreg:$0x1] =	wrdreg $0xFFFFFFFF  }
0xad: {  	s28 =	simm.s32 $_size_execute0_lowered;
	s4 =	sadd.s32 s4, s6;
	[dreg:$0x0] =	wrdreg $0x0  }
0xae: {  	s6 =	sshll.u32 s28, $0x1;
	[dreg:$0x2] =	wrdreg s4  }
0xaf: {  	[dreg:$0x3] =	wrdreg s6  }
0xb0: {  	[dreg:$0x4] =	wrdreg $0xC0  }
0xb1: {  	_ =	task [dreg:s8], $0x5FFFF  }
0xb2: {  	[dreg:$0x1] =	wrdreg $0xFFFFFFFF  }
0xb3: {  	[dreg:$0x0] =	wrdreg $0x60  }
0xb4: {  	[dreg:$0x2] =	wrdreg s17  }
0xb5: {  	[dreg:$0x3] =	wrdreg s16  }
0xb6: {  	[dreg:$0x4] =	wrdreg s24  }
0xb7: {  	[dreg:$0x5] =	wrdreg $0x9  }
0xb8: {  	_ =	task.clear_ibuf [dreg:s8], $0x6FFFF;
	_ =	strace $0x90000049  }
0xb9: {  	s29 =	simm.s32 $0x9;
	_ =	strace $0x8000004B  }
0xba: {  	_ =	swait.ge [sflag:s29], $0x1  }
0xbb: {  	[sflag:s29] =	ssyncadd.s32 $0xFFFFFFFF  }
0xbc: {  	_ =	strace $0x9000004B  }
0xbd: {  	_ =	sfence  }
0xbe: {  	s30 =	sld [smem:$0x0];
	_ =	sdelay $0x2  }
0xbf: {  	s31 =	sshll.u32 s1, $0xD;
	s1 =	sshrl.u32 s1, $0x2  }
0xc0: {  	s3 =	sand.u32 $0x4000, s31;
	s1 =	sadd.s32 s1, s30  }
0xc1: {  	s0 =	sor.u32 s3, s0;
	s1 =	sshll.u32 s1, $0x11  }
0xc2: {  	s0 =	sor.u32 s1, s0  }
0xc3: {  	s0 =	sadd.s32 $0x8F2B, s0  }
0xc4: {  	[sflag:s0] =	ssyncadd.remote.s32 $0x1  }
0xc5: {  	_ =	sfence.sel $0xFFFF  }
0xc6: {  	[dreg:$0x0] =	wrdreg $0xFFFFFFFF;
	(pc) =	sbr.abs _section_cstart, $3  }
0xc7: {  	[dreg:$0x1] =	wrdreg $0xFFFFFFFF  }
0xc8: {  	_ =	task.clear_ibuf [dreg:s8], $0x2FFFF;
	_ =	strace $0x9FFFFFFF  }
0xc9: {  	(tm) =	ssettm $0x7FFFFFFF  }
tec
execute0_lowered:
.L_overlay_start_1:
0x0: {  	(tag) =	ssettag $0x1  }
0x1: {  	s1 =	rddreg [dreg:$0x0]  }
0x2: {  	s0 =	srdreg.scid;
	s3 =	rddreg [dreg:$0x1]  }
0x3: {  	s8 =	rddreg [dreg:$0x2];
	s12 =	simm.s32 $0x1;
	s13 =	simm.s32 $0x4100  }
0x4: {  	s15 =	simm.s32 $0x8100;
	s7 =	sand.u32 $0x1, s0;
	s0 =	stileid.u32  }
0x5: {  	s16 =	simm.s32 $0x400;
	s2 =	sshll.u32 s7, $0x4;
	s6 =	sshll.u32 s0, $0x7  }
0x6: {  	s9 =	ssub.s32 $0x2, s7;
	s14 =	sshll.u32 s0, $0x3;
	s4 =	sor.u32 s0, s2  }
0x7: {  	v0 =	vlaneseq.u32;
	s31 =	sshrl.u32 s0, $0x1;
	s7 =	smul.u32 $0x28000, s7;
	s5 =	sshrl.u32 s4, $0x3  }
0x8: {  	v1 =	vand.u32 $0x7, v0;
	s2 =	rddreg [dreg:$0x3];
	s6 =	sand.u32 $0x380, s6;
	s5 =	smul.u32 $0x9E000, s5  }
0x9: {  	s11 =	sshrl.u32 s9, $0x1;
	v1 =	vor.u32 s14, v1;
	s14 =	simm.s32 $0x2;
	s4 =	simm.s32 $0x0  }
0xa: {  	s9 =	ssub.s32 s9, s11;
	s11 =	simm.s32 $0x100;
	s6 =	sor.u32 s6, s5  }
0xb: {  	[smem:$0x7FF] =	sst s4;
	s9 =	smax.u32 s9, $0x1;
	s10 =	sshrl.u32 s6, $0x3  }
0xc: {  	v2 =	vmov s31;
	s5 =	sadd.s32 $0xA0400, s8;
	s6 =	sadd.s32 $0x29C00, s8;
	s8 =	sadd.s32 s10, s8  }
0xd: {  	v3 =	vimm.f32 $0.0e+00;
	v2 =	vbroadcast v2, $0x0;
	_ =	strace $0x8000004A;
	s10 =	simm.s32 $0x80;
	s8 =	sadd.s32 $0x5A0400, s8  }
.LBB2_1:
0xe: {  	s17 =	simm.s32 $0x40;
	s18 =	simm.s32 $0x0  }
.LBB2_2:
0xf: {  	p0 =	sne.s32 s17, $0x4EFC0;
	[tilespmem:s18+$0x8100] =	vst v3;
	s18 =	smov.u32 s17;
	s17 =	sadd.s32 $0x40, s17  }
.Ltmp0:
0x10: {  	(pc) =	sbr.rel @p0 .LBB2_2-.Ltmp0, $2  }
0x11: {  	_ =	sdelay $0x2  }
0x12: {  	s18 =	sshra.s32 s18, $0x2  }
0x13: {  	[tilespmem:s18+$0x8100] =	vst v3;
	s17 =	simm.s32 $0x0;
	s18 =	simm.s32 $0x0  }
.LBB2_4:
0x14: {  	s19 =	sshll.u32 s18, $0x7  }
0x15: {  	s19 =	sadd.s32 s7, s19  }
0x16: {  	s20 =	sshrl.u32 s19, $0x3  }
0x17: {  	s21 =	sadd.s32 s1, s20  }
0x18: {  	[tilespmem:s17], [sflag:$0x1] =	stream.linear.gather [hbm4b:s21+s17], $0x80, $0x38;
	[tilespmem:$0x1BD00] =	vst v63  }
0x19: {  	s19 =	sshll.u32 s19, $0x4;
	s20 =	sadd.s32 s3, s20  }
0x1a: {  	[tilespmem:s10], [sflag:$0x1] =	stream.linear.gather [hbm4b:s20+s17], $0x80, $0x38;
	[tilespmem:$0x1BD00] =	vst v63  }
0x1b: {  	s19 =	sadd.s32 s5, s19  }
0x1c: {  	[tilespmem:s11], [sflag:$0x1] =	stream.linear.gather [hbm4b:s19+s17], $0x4000, $0x38;
	[tilespmem:$0x1BD00] =	vst v63  }
0x1d: {  	_ =	swait.ge [sflag:s12], $0x80  }
0x1e: {  	[sflag:s12] =	ssyncset.done $0x0  }
0x1f: {  	[sflag:s12] =	ssyncadd.s32 $0xFFFFFF80  }
0x20: {  	_ =	swait.ge [sflag:s12], $0x80  }
0x21: {  	[sflag:s12] =	ssyncset.done $0x0  }
0x22: {  	[sflag:s12] =	ssyncadd.s32 $0xFFFFFF80  }
0x23: {  	_ =	swait.ge [sflag:s12], $0x4000  }
0x24: {  	[sflag:s12] =	ssyncset.done $0x0  }
0x25: {  	[sflag:s12] =	ssyncadd.s32 $0xFFFFC000  }
0x26: {  	[tilespmem:s13], [sflag:$0x2] =	stream.indirect.gather [hbm4b:s6+s10], $0x80, s17, s10, $0xb8;
	[tilespmem:$0x1BD00] =	vst v63  }
0x27: {  	_ =	swait.ge [sflag:s14], $0x4000  }
0x28: {  	[sflag:s14] =	ssyncset.done $0x0  }
0x29: {  	s19 =	simm.s32 $0x0;
	[sflag:s14] =	ssyncadd.s32 $0xFFFFC000  }
.LBB2_5:
0x2a: {  	v4 =	vmov s19;
	_ =	sdelay $0x1  }
0x2b: {  	v5 =	vshll.u32 v4, $0x7  }
0x2c: {  	v6 =	vor.u32 v2, v5  }
0x2d: {  	v5 =	vor.u32 v1, v5  }
0x2e: {  	v4 =	vld.idx.msk [tilespmem:v4+s10+$0x0], $0xffff;
	_ =	sdelay $0x2  }
0x2f: {  	v6 =	vld.idx.msk [tilespmem:v6+s11+$0x0], $0xffff  }
0x30: {  	v5 =	vld.idx.msk [tilespmem:v5+s13+$0x0], $0xffff  }
0x31: {  	v4 =	vshll.u32 v4, $0x3  }
0x32: {  	s20 =	sadd.s32 $0x1, s19;
	v4 =	vadd.s32 v0, v4  }
0x33: {  	v7 =	vmov s20;
	_ =	sdelay $0x1  }
0x34: {  	v54 =	vshll.u32 v7, $0x7;
	v5 =	vmul.f32 v5, v6  }
0x35: {  	v8 =	vor.u32 v2, v54  }
0x36: {  	[tilespmem:v4+s15+$0x0] =	vst.idx.add.f32.msk $0xff, v5;
	v4 =	vor.u32 v1, v54  }
0x37: {  	v5 =	vld.idx.msk [tilespmem:v7+s10+$0x0], $0xffff;
	_ =	sdelay $0x2  }
0x38: {  	v55 =	vld.idx.msk [tilespmem:v8+s11+$0x0], $0xffff  }
0x39: {  	v4 =	vld.idx.msk [tilespmem:v4+s13+$0x0], $0xffff  }
0x3a: {  	v5 =	vshll.u32 v5, $0x3  }
0x3b: {  	s30 =	sadd.s32 $0x2, s19;
	v5 =	vadd.s32 v0, v5  }
0x3c: {  	v56 =	vmov s30;
	_ =	sdelay $0x1  }
0x3d: {  	v57 =	vshll.u32 v56, $0x7;
	v4 =	vmul.f32 v4, v55  }
0x3e: {  	v58 =	vor.u32 v2, v57  }
0x3f: {  	[tilespmem:v5+s15+$0x0] =	vst.idx.add.f32.msk $0xff, v4;
	v4 =	vor.u32 v1, v57  }
0x40: {  	v5 =	vld.idx.msk [tilespmem:v56+s10+$0x0], $0xffff;
	_ =	sdelay $0x2  }
0x41: {  	v59 =	vld.idx.msk [tilespmem:v58+s11+$0x0], $0xffff  }
0x42: {  	v4 =	vld.idx.msk [tilespmem:v4+s13+$0x0], $0xffff  }
0x43: {  	v5 =	vshll.u32 v5, $0x3  }
0x44: {  	s31 =	sadd.s32 $0x3, s19;
	v5 =	vadd.s32 v0, v5  }
0x45: {  	v60 =	vmov s31;
	_ =	sdelay $0x1  }
0x46: {  	v61 =	vshll.u32 v60, $0x7;
	v4 =	vmul.f32 v4, v59  }
0x47: {  	v62 =	vor.u32 v2, v61  }
0x48: {  	[tilespmem:v5+s15+$0x0] =	vst.idx.add.f32.msk $0xff, v4;
	v4 =	vor.u32 v1, v61  }
0x49: {  	v5 =	vld.idx.msk [tilespmem:v60+s10+$0x0], $0xffff;
	_ =	sdelay $0x2  }
0x4a: {  	v63 =	vld.idx.msk [tilespmem:v62+s11+$0x0], $0xffff  }
0x4b: {  	v4 =	vld.idx.msk [tilespmem:v4+s13+$0x0], $0xffff  }
0x4c: {  	v5 =	vshll.u32 v5, $0x3  }
0x4d: {  	p0 =	sne.s32 s19, $0x7C;
	v5 =	vadd.s32 v0, v5  }
.Ltmp1:
0x4e: {  	_ = 	snop;
	(pc) =	sbr.rel @p0 .LBB2_5-.Ltmp1, $3  }
0x4f: {  	_ = 	snop  }
0x50: {  	v4 =	vmul.f32 v4, v63;
	_ =	sdelay $0x1  }
0x51: {  	s19 =	sadd.s32 $0x4, s19;
	[tilespmem:v5+s15+$0x0] =	vst.idx.add.f32.msk $0xff, v4  }
0x52: {  	s18 =	sadd.s32 $0x1, s18  }
0x53: {  	p0 =	sne.s32 s18, $0x500  }
.Ltmp2:
0x54: {  	_ = 	snop;
	(pc) =	sbr.rel @p0 .LBB2_4-.Ltmp2, $1  }
0x55: {  	_ =	sdelay $0x3  }
0x56: {  	s4 =	sadd.s32 $0x1, s4  }
0x57: {  	p0 =	sne.s32 s4, s9  }
.Ltmp3:
0x58: {  	_ = 	snop;
	(pc) =	sbr.rel @p0 .LBB2_1-.Ltmp3, $4  }
0x59: {  	[hbm4b:s8+s10] =	stream.strided.scatter [tilespmem:s15], [sflag:$0x2], $0x13C00, s16, s10, $0x38;
	[tilespmem:$0x1BD00] =	vst v63  }
0x5a: {  	_ =	swait.ge [sflag:s14], $0x13C00  }
0x5b: {  	[sflag:s14] =	ssyncset.done $0x0  }
0x5c: {  	[sflag:s14] =	ssyncadd.s32 $0xFFFEC400  }
0x5d: {  	_ =	sfence.sel $0x180000  }
0x5e: {  	[bflag:$0x0] =	sbarrier.arrive $0xFFFF  }
0x5f: {  	p0 =	sne.s32 s0, $0x0;
	_ =	strace $0x9000004A  }
0x60: {  	s0 =	sadd.s32 @!p0 $0x100000, s2;
	[bflag:$0x2] =	sbarrier.arrive $0xFFFF  }
0x61: {  	[sflag:s0] =	ssyncadd.tile.s32 @!p0 $0x1;
	_ =	shalt  }
.Lfunc_end2:
_tile_overlayer_lowered:
.L_overlay_start_2:
0x62: {  	(tag) =	ssettag $0x2  }
0x63: {  	s0 =	rddreg [dreg:$0x0];
	s2 =	stileid.u32  }
0x64: {  	s1 =	rddreg [dreg:$0x1];
	p0 =	sne.s32 s2, $0x0  }
0x65: {  	s3 =	rddreg [dreg:$0x2];
	[bflag:$0x3] =	sbarrier.arrive $0xFFFF;
	s2 =	simm.s32 @!p0 $0x1C02  }
0x66: {  	[timem:s3], [sflag:s2] =	dma.local @!p0 [hbm:s0], s1  }
0x67: {  	s0 =	simm.s32 @!p0 $0x2  }
0x68: {  	_ =	swait.ge @!p0 [sflag:s0], s1  }
0x69: {  	s1 =	ssub.s32 @!p0 $0x0, s1;
	[sflag:s0] =	ssyncset.done @!p0 $0x0  }
0x6a: {  	[sflag:s0] =	ssyncadd.s32 @!p0 s1  }
0x6b: {  	[bflag:$0x3] =	sbarrier.arrive $0xFFFF  }
0x6c: {  	_ =	shalt  }

</sc_bundles>
